<compile_context>
chip_gen: v7x
topology: tpu7x:2x2x1
jax: 0.10.2.dev20260603
libtpu: 0.0.44.dev20260713+nightly
codegen_flags: <defaults>
</compile_context>

<pallas_src>
import functools

import jax
import jax.numpy as jnp
from jax.experimental import pallas as pl
from jax.experimental.pallas import tpu as pltpu

D = 256
NEXP = 8
OUT = 2
NREL = 2
BN = 512
ECHUNK = 4000


def _dot(a, b):
    return jnp.dot(a, b, preferred_element_type=jnp.float32)


def _leaky_relu(x):
    return jnp.where(x >= 0, x, 0.01 * x)



def _proj_body(x_ref, w_ref, b_ref, o_ref):
    o_ref[...] = _dot(x_ref[...], w_ref[...]) + b_ref[...]


def _proj(x0, W_in, b_in):
    npad = x0.shape[0]
    return pl.pallas_call(
        _proj_body,
        grid=(npad // BN,),
        in_specs=[
            pl.BlockSpec((BN, D), lambda i: (i, 0)),
            pl.BlockSpec((D, D), lambda i: (0, 0)),
            pl.BlockSpec((1, D), lambda i: (0, 0)),
        ],
        out_specs=pl.BlockSpec((BN, D), lambda i: (i, 0)),
        out_shape=jax.ShapeDtypeStruct((npad, D), jnp.float32),
    )(x0, W_in, b_in.reshape(1, D))



def _agg_body(src_ref, key_ref, x_ref, agg_ref, cnt_ref):
    @pl.when(pl.program_id(0) == 0)
    def _init():
        agg_ref[...] = jnp.zeros_like(agg_ref)
        cnt_ref[...] = jnp.zeros_like(cnt_ref)

    dummy = agg_ref.shape[0] - 1

    def step(e, carry):
        run, rc, prev = carry
        s = src_ref[0, 0, e]
        k = key_ref[0, 0, e]
        row = x_ref[pl.ds(s, 1), :]
        flush = k != prev

        @pl.when(flush)
        def _flush():
            agg_ref[pl.ds(prev, 1), :] += run
            cnt_ref[pl.ds(prev, 1), :] += rc

        run = jnp.where(flush, row, run + row)
        rc = jnp.where(flush, 1.0, rc + 1.0)
        return run, rc, k

    run, rc, prev = jax.lax.fori_loop(
        0, ECHUNK, step,
        (jnp.zeros((1, D), jnp.float32), jnp.zeros((1, 1), jnp.float32),
         jnp.int32(dummy)))
    agg_ref[pl.ds(prev, 1), :] += run
    cnt_ref[pl.ds(prev, 1), :] += rc


def _aggregate(x, src_c, key_c, nrows):
    nchunks = src_c.shape[0]
    agg, cnt = pl.pallas_call(
        _agg_body,
        grid=(nchunks,),
        in_specs=[
            pl.BlockSpec((1, 1, ECHUNK), lambda i: (i, 0, 0),
                         memory_space=pltpu.SMEM),
            pl.BlockSpec((1, 1, ECHUNK), lambda i: (i, 0, 0),
                         memory_space=pltpu.SMEM),
            pl.BlockSpec((x.shape[0], D), lambda i: (0, 0)),
        ],
        out_specs=[
            pl.BlockSpec((nrows, D), lambda i: (0, 0)),
            pl.BlockSpec((nrows, 1), lambda i: (0, 0)),
        ],
        out_shape=[
            jax.ShapeDtypeStruct((nrows, D), jnp.float32),
            jax.ShapeDtypeStruct((nrows, 1), jnp.float32),
        ],
    )(src_c, key_c, x)
    return agg, cnt



def _combine_body(x_ref, a0_ref, a1_ref, c0_ref, c1_ref,
                  wroot_ref, w0_ref, w1_ref, b_ref, o_ref):
    acc = _dot(x_ref[...], wroot_ref[...]) + b_ref[...]
    m0 = a0_ref[...] / jnp.maximum(c0_ref[...], 1.0)
    m1 = a1_ref[...] / jnp.maximum(c1_ref[...], 1.0)
    acc += _dot(m0, w0_ref[...])
    acc += _dot(m1, w1_ref[...])
    o_ref[...] = acc


def _combine(x, agg0, agg1, cnt0, cnt1, Wroot, Wr, b_rgcn):
    npad = x.shape[0]
    return pl.pallas_call(
        _combine_body,
        grid=(npad // BN,),
        in_specs=[
            pl.BlockSpec((BN, D), lambda i: (i, 0)),
            pl.BlockSpec((BN, D), lambda i: (i, 0)),
            pl.BlockSpec((BN, D), lambda i: (i, 0)),
            pl.BlockSpec((BN, 1), lambda i: (i, 0)),
            pl.BlockSpec((BN, 1), lambda i: (i, 0)),
            pl.BlockSpec((D, D), lambda i: (0, 0)),
            pl.BlockSpec((D, D), lambda i: (0, 0)),
            pl.BlockSpec((D, D), lambda i: (0, 0)),
            pl.BlockSpec((1, D), lambda i: (0, 0)),
        ],
        out_specs=pl.BlockSpec((BN, D), lambda i: (i, 0)),
        out_shape=jax.ShapeDtypeStruct((npad, D), jnp.float32),
    )(x, agg0, agg1, cnt0, cnt1, Wroot, Wr[0], Wr[1],
      b_rgcn.reshape(1, D))



def _moe_body(x_ref, wg_ref, w1_ref, b1_ref, w2_ref, b2_ref, o_ref):
    x = x_ref[...]
    logits = _dot(x, wg_ref[...])
    ids = jax.lax.broadcasted_iota(jnp.int32, logits.shape, 1)
    m1 = jnp.max(logits, axis=1, keepdims=True)
    i1 = jnp.argmax(logits, axis=1)[:, None]
    masked = jnp.where(ids == i1, -jnp.inf, logits)
    m2 = jnp.max(masked, axis=1, keepdims=True)
    i2 = jnp.argmax(masked, axis=1)[:, None]
    t = jnp.exp(m2 - m1)
    den = 1.0 + t
    g1 = 1.0 / den
    g2 = t / den
    acc = jnp.zeros((x.shape[0], OUT), jnp.float32)
    for e in range(NEXP):
        h = _leaky_relu(
            _dot(x, w1_ref[e])
            + b1_ref[...][e][None, :])
        y = _dot(h, w2_ref[e]) \
            + b2_ref[...][e][None, :]
        w = jnp.where(i1 == e, g1, 0.0) + jnp.where(i2 == e, g2, 0.0)
        acc += w * y
    o_ref[...] = acc


def _moe(x, Wg, W1, b1, W2, b2):
    npad = x.shape[0]
    return pl.pallas_call(
        _moe_body,
        grid=(npad // BN,),
        in_specs=[
            pl.BlockSpec((BN, D), lambda i: (i, 0)),
            pl.BlockSpec((D, NEXP), lambda i: (0, 0)),
            pl.BlockSpec((NEXP, D, D), lambda i: (0, 0, 0)),
            pl.BlockSpec((NEXP, D), lambda i: (0, 0)),
            pl.BlockSpec((NEXP, D, OUT), lambda i: (0, 0, 0)),
            pl.BlockSpec((NEXP, OUT), lambda i: (0, 0)),
        ],
        out_specs=pl.BlockSpec((BN, OUT), lambda i: (i, 0)),
        out_shape=jax.ShapeDtypeStruct((npad, OUT), jnp.float32),
    )(x, Wg, W1, b1, W2, b2)


def kernel(des, tweet, num_prop, cat_prop, edge_index, edge_type,
           W_in, b_in, Wr, Wroot, b_rgcn, Wg, W1, b1, W2, b2):
    n = des.shape[0]
    e = edge_index.shape[1]
    npad = ((n + BN - 1) // BN) * BN
    nh = npad // 2
    nha = nh + 128
    epad = ((e + 63) // 64) * 64

    x0 = jnp.concatenate([des, tweet, num_prop, cat_prop], axis=1)
    x0 = jnp.pad(x0, ((0, npad - n), (0, 0)))

    epad = ((e + ECHUNK - 1) // ECHUNK) * ECHUNK
    nchunks = epad // ECHUNK
    nrows = NREL * npad + 8

    src = jnp.pad(edge_index[0], (0, epad - e))
    key = jnp.pad(edge_type * npad + edge_index[1], (0, epad - e),
                  constant_values=NREL * npad)
    perm = jnp.argsort(key, stable=True)
    src = src[perm]
    key = key[perm]
    src_c = src.reshape(nchunks, 1, ECHUNK)
    key_c = key.reshape(nchunks, 1, ECHUNK)

    x1 = jax.nn.selu(_proj(x0, W_in, b_in))

    agg, cnt = _aggregate(x1, src_c, key_c, nrows)
    x2 = _combine(x1, agg[:npad], agg[npad:2 * npad],
                  cnt[:npad], cnt[npad:2 * npad], Wroot, Wr, b_rgcn)

    agg2, _ = _aggregate(x2, src_c, key_c, nrows)
    x3 = _combine(x2, agg2[:npad], agg2[npad:2 * npad],
                  cnt[:npad], cnt[npad:2 * npad], Wroot, Wr, b_rgcn)

    out = _moe(x3, Wg, W1, b1, W2, b2)
    return out[:n]

# --- scband reference (transcript-rebuilt; emitter-appended) ---
"""Pipeline reference for scband-bot-rgcn-fmoe1-52518860095659 (READ-ONLY COPY).

The authoritative reference and input builder live on the scoring server;
editing this copy changes nothing except your own understanding.
"""

import jax, jax.numpy as jnp
import numpy as np

N = 10000
E = 160000
D = 256
NEXP = 8
TOPK = 2
OUT = 2
NREL = 2


def setup_inputs(seed: int = 0) -> dict:
    key = jax.random.key(seed)
    ks = jax.random.split(key, 20)
    s = 1.0 / np.sqrt(D)
    inp = {}
    inp["des"] = jax.random.normal(ks[0], (N, 128), jnp.float32)
    inp["tweet"] = jax.random.normal(ks[1], (N, 96), jnp.float32)
    inp["num_prop"] = jax.random.normal(ks[2], (N, 16), jnp.float32)
    inp["cat_prop"] = jax.random.normal(ks[3], (N, 16), jnp.float32)
    inp["edge_index"] = jax.random.randint(ks[4], (2, E), 0, N, dtype=jnp.int32)
    inp["edge_type"] = jax.random.randint(ks[5], (E,), 0, NREL, dtype=jnp.int32)
    # learned parameters
    inp["W_in"] = jax.random.normal(ks[6], (D, D), jnp.float32) * s
    inp["b_in"] = jnp.zeros((D,), jnp.float32)
    inp["Wr"] = jax.random.normal(ks[7], (NREL, D, D), jnp.float32) * s
    inp["Wroot"] = jax.random.normal(ks[8], (D, D), jnp.float32) * s
    inp["b_rgcn"] = jnp.zeros((D,), jnp.float32)
    inp["Wg"] = jax.random.normal(ks[9], (D, NEXP), jnp.float32) * s
    inp["W1"] = jax.random.normal(ks[10], (NEXP, D, D), jnp.float32) * s
    inp["b1"] = jnp.zeros((NEXP, D), jnp.float32)
    inp["W2"] = jax.random.normal(ks[11], (NEXP, D, OUT), jnp.float32) * s
    inp["b2"] = jnp.zeros((NEXP, OUT), jnp.float32)
    return inp


def reference(des, tweet, num_prop, cat_prop, edge_index, edge_type,
              W_in, b_in, Wr, Wroot, b_rgcn, Wg, W1, b1, W2, b2):
    src = edge_index[0]
    dst = edge_index[1]

    def rgcn(x):
        # PyG RGCNConv with mean aggregation per relation + root transform + bias
        out = x @ Wroot + b_rgcn
        for r in range(NREL):
            m = (edge_type == r).astype(x.dtype)
            msg = x[src] * m[:, None]
            agg = jnp.zeros_like(x).at[dst].add(msg)
            cnt = jnp.zeros((x.shape[0],), x.dtype).at[dst].add(m)
            agg = agg / jnp.clip(cnt, 1.0)[:, None]
            out = out + agg @ Wr[r]
        return out

    x = jnp.concatenate([des, tweet, num_prop, cat_prop], axis=1)
    x = jax.nn.selu(x @ W_in + b_in)
    x = rgcn(x)
    # dropout: eval mode (identity)
    x = rgcn(x)

    # MoE: top-k gating over experts, each expert is MLP(Linear->LeakyReLU->Linear)
    logits = x @ Wg
    vals, idx = jax.lax.top_k(logits, TOPK)
    gates = jax.nn.softmax(vals, axis=-1)
    h = jax.nn.leaky_relu(jnp.einsum('nd,edh->neh', x, W1) + b1[None, :, :])
    y = jnp.einsum('neh,eho->neo', h, W2) + b2[None, :, :]
    sel = jnp.take_along_axis(y, idx[:, :, None], axis=1)
    out = jnp.sum(gates[:, :, None] * sel, axis=1)
    return out

if __name__ == "__main__":
    import jax
    _d = setup_inputs()
    print(jax.jit(kernel)(*tuple(_d.values())))

</pallas_src>

<mosaic_0001>
module attributes {stable_mosaic.version = 14 : i64} {
  func.func @_proj_body(%arg0: i32, %arg1: memref<512x256xf32, #tpu.memory_space<vmem>>, %arg2: memref<256x256xf32, #tpu.memory_space<vmem>>, %arg3: memref<1x256xf32, #tpu.memory_space<vmem>>, %arg4: memref<512x256xf32, #tpu.memory_space<vmem>>) attributes {dimension_semantics = [#tpu.dimension_semantics<arbitrary>], iteration_bounds = array<i64: 20>, scalar_prefetch = 0 : i64, scratch_operands = 0 : i64, tpu.core_type = #tpu.core_type<tc>, window_params = [{transform_indices = @transform_0, window_bounds = array<i64: 512, 256>}, {pipeline_mode = #tpu.pipeline_mode<synchronous>, transform_indices = @transform_1, window_bounds = array<i64: 256, 256>}, {pipeline_mode = #tpu.pipeline_mode<synchronous>, transform_indices = @transform_2, window_bounds = array<i64: 1, 256>}, {transform_indices = @transform_3, window_bounds = array<i64: 512, 256>}]} {
    %get3A = arith.constant 0 : index
    %get3A_0 = arith.constant 0 : index
    %get3A_1 = vector.load %arg1[%get3A, %get3A_0] : memref<512x256xf32, #tpu.memory_space<vmem>>, vector<512x256xf32>
    %get3A_2 = arith.constant 0 : index
    %get3A_3 = arith.constant 0 : index
    %get3A_4 = vector.load %arg2[%get3A_2, %get3A_3] : memref<256x256xf32, #tpu.memory_space<vmem>>, vector<256x256xf32>
    %dot_general3A = arith.constant dense<0.000000e+00> : vector<512x256xf32>
    %dot_general3A_5 = tpu.matmul %get3A_1, %get3A_4, %dot_general3A {dimension_numbers = #tpu.dot_dimension_numbers<[1], [0], [0], [1], [0, 0, 1, 1], [], []>, transpose_lhs_hint = false} : vector<512x256xf32>, vector<256x256xf32>, vector<512x256xf32> -> vector<512x256xf32>
    %get3A_6 = arith.constant 0 : index
    %get3A_7 = arith.constant 0 : index
    %get3A_8 = vector.load %arg3[%get3A_6, %get3A_7] : memref<1x256xf32, #tpu.memory_space<vmem>>, vector<1x256xf32>
    %add3A = vector.broadcast %get3A_8 : vector<1x256xf32> to vector<512x256xf32>
    %add3A_9 = arith.addf %dot_general3A_5, %add3A : vector<512x256xf32>
    %swap3A = arith.constant 0 : index
    %swap3A_10 = arith.constant 0 : index
    %swap3A_11 = vector.load %arg4[%swap3A, %swap3A_10] : memref<512x256xf32, #tpu.memory_space<vmem>>, vector<512x256xf32>
    tpu.vector_store %arg4[%swap3A, %swap3A_10], %add3A_9 {strides = array<i32>} : memref<512x256xf32, #tpu.memory_space<vmem>>, vector<512x256xf32>,
    return
  }
  func.func @transform_0(%arg0: i32) -> (i32, i32) {
    %c0_i32 = arith.constant 0 : i32
    %c0_i32_0 = arith.constant 0 : i32
    return %arg0, %c0_i32 : i32, i32
  }
  func.func @transform_1(%arg0: i32) -> (i32, i32) {
    %c0_i32 = arith.constant 0 : i32
    %c0_i32_0 = arith.constant 0 : i32
    %c0_i32_1 = arith.constant 0 : i32
    return %c0_i32, %c0_i32_0 : i32, i32
  }
  func.func @transform_2(%arg0: i32) -> (i32, i32) {
    %c0_i32 = arith.constant 0 : i32
    %c0_i32_0 = arith.constant 0 : i32
    %c0_i32_1 = arith.constant 0 : i32
    return %c0_i32, %c0_i32_0 : i32, i32
  }
  func.func @transform_3(%arg0: i32) -> (i32, i32) {
    %c0_i32 = arith.constant 0 : i32
    %c0_i32_0 = arith.constant 0 : i32
    return %arg0, %c0_i32 : i32, i32
  }
}

module attributes {stable_mosaic.version = 14 : i64} {
  func.func @_agg_body(%arg0: i32, %arg1: memref<1x1x4000xi32, #tpu.memory_space<smem>>, %arg2: memref<1x1x4000xi32, #tpu.memory_space<smem>>, %arg3: memref<10240x256xf32, #tpu.memory_space<vmem>>, %arg4: memref<20488x256xf32, #tpu.memory_space<vmem>>, %arg5: memref<20488x1xf32, #tpu.memory_space<vmem>>) attributes {dimension_semantics = [#tpu.dimension_semantics<arbitrary>], iteration_bounds = array<i64: 40>, scalar_prefetch = 0 : i64, scratch_operands = 0 : i64, tpu.core_type = #tpu.core_type<tc>, window_params = [{transform_indices = @transform_0, window_bounds = array<i64: 1, 1, 4000>}, {transform_indices = @transform_1, window_bounds = array<i64: 1, 1, 4000>}, {pipeline_mode = #tpu.pipeline_mode<synchronous>, transform_indices = @transform_2, window_bounds = array<i64: 10240, 256>}, {pipeline_mode = #tpu.pipeline_mode<synchronous>, transform_indices = @transform_3, window_bounds = array<i64: 20488, 256>}, {pipeline_mode = #tpu.pipeline_mode<synchronous>, transform_indices = @transform_4, window_bounds = array<i64: 20488, 1>}]} {
    %eq3A = arith.constant 0 : i32
    %eq3A_0 = arith.cmpi eq, %arg0, %eq3A : i32
    %convert_element_type3A = arith.extui %eq3A_0 : i1 to i32
    %cond3A = arith.constant 0 : i32
    %cond3A_1 = arith.cmpi ne, %convert_element_type3A, %cond3A : i32
    scf.if %cond3A_1 {
      %broadcast_in_dim3A_22 = arith.constant 0.000000e+00 : f32
      %broadcast_in_dim3A_23 = vector.broadcast %broadcast_in_dim3A_22 : f32 to vector<20488x256xf32>
      %swap3A_24 = arith.constant 0 : index
      %swap3A_25 = arith.constant 0 : index
      %swap3A_26 = vector.load %arg4[%swap3A_24, %swap3A_25] : memref<20488x256xf32, #tpu.memory_space<vmem>>, vector<20488x256xf32>
      tpu.vector_store %arg4[%swap3A_24, %swap3A_25], %broadcast_in_dim3A_23 {strides = array<i32>} : memref<20488x256xf32, #tpu.memory_space<vmem>>, vector<20488x256xf32>,
      %broadcast_in_dim3A_27 = arith.constant 0.000000e+00 : f32
      %broadcast_in_dim3A_28 = vector.broadcast %broadcast_in_dim3A_27 : f32 to vector<20488x1xf32>
      %swap3A_29 = arith.constant 0 : index
      %swap3A_30 = arith.constant 0 : index
      %swap3A_31 = vector.load %arg5[%swap3A_29, %swap3A_30] : memref<20488x1xf32, #tpu.memory_space<vmem>>, vector<20488x1xf32>
      tpu.vector_store %arg5[%swap3A_29, %swap3A_30], %broadcast_in_dim3A_28 {strides = array<i32>} : memref<20488x1xf32, #tpu.memory_space<vmem>>, vector<20488x1xf32>,
    } else {
    }
    %broadcast_in_dim3A = arith.constant 0.000000e+00 : f32
    %broadcast_in_dim3A_2 = vector.broadcast %broadcast_in_dim3A : f32 to vector<1x256xf32>
    %broadcast_in_dim3A_3 = arith.constant 0.000000e+00 : f32
    %broadcast_in_dim3A_4 = vector.broadcast %broadcast_in_dim3A_3 : f32 to vector<1x1xf32>
    %scan3A = arith.constant 20487 : i32
    %scan3A_5 = arith.constant 0 : i32
    %scan3A_6 = arith.constant 4000 : i32
    %scan3A_7 = arith.addi %scan3A_5, %scan3A_6 : i32
    %scan3A_8 = arith.constant 1 : i32
    %scan3A_9:3 = scf.for %scan3A_22 = %scan3A_5 to %scan3A_7 step %scan3A_8 iter_args(%scan3A_23 = %broadcast_in_dim3A_2, %scan3A_24 = %broadcast_in_dim3A_4, %scan3A_25 = %scan3A) -> (vector<1x256xf32>, vector<1x1xf32>, i32)  : i32 {
      %get3A_26 = arith.constant 0 : index
      %get3A_27 = arith.constant 0 : index
      %get3A_28 = arith.index_cast %scan3A_22 : i32 to index
      %get3A_29 = memref.load %arg1[%get3A_26, %get3A_27, %get3A_28] : memref<1x1x4000xi32, #tpu.memory_space<smem>>
      %get3A_30 = arith.constant 0 : index
      %get3A_31 = arith.constant 0 : index
      %get3A_32 = arith.index_cast %scan3A_22 : i32 to index
      %get3A_33 = memref.load %arg2[%get3A_30, %get3A_31, %get3A_32] : memref<1x1x4000xi32, #tpu.memory_space<smem>>
      %get3A_34 = arith.index_cast %get3A_29 : i32 to index
      %get3A_35 = arith.constant 0 : index
      %get3A_36 = vector.load %arg3[%get3A_34, %get3A_35] : memref<10240x256xf32, #tpu.memory_space<vmem>>, vector<1x256xf32>
      %ne3A = arith.cmpi ne, %get3A_33, %scan3A_25 : i32
      %convert_element_type3A_37 = arith.extui %ne3A : i1 to i32
      %cond3A_38 = arith.constant 0 : i32
      %cond3A_39 = arith.cmpi ne, %convert_element_type3A_37, %cond3A_38 : i32
      scf.if %cond3A_39 {
        %get3A_46 = arith.index_cast %scan3A_25 : i32 to index
        %get3A_47 = arith.constant 0 : index
        %get3A_48 = vector.load %arg4[%get3A_46, %get3A_47] : memref<20488x256xf32, #tpu.memory_space<vmem>>, vector<1x256xf32>
        %add3A_49 = arith.addf %get3A_48, %scan3A_23 : vector<1x256xf32>
        %swap3A_50 = arith.index_cast %scan3A_25 : i32 to index
        %swap3A_51 = arith.constant 0 : index
        %swap3A_52 = vector.load %arg4[%swap3A_50, %swap3A_51] : memref<20488x256xf32, #tpu.memory_space<vmem>>, vector<1x256xf32>
        tpu.vector_store %arg4[%swap3A_50, %swap3A_51], %add3A_49 {strides = array<i32>} : memref<20488x256xf32, #tpu.memory_space<vmem>>, vector<1x256xf32>,
        %get3A_53 = arith.index_cast %scan3A_25 : i32 to index
        %get3A_54 = arith.constant 0 : index
        %get3A_55 = vector.load %arg5[%get3A_53, %get3A_54] : memref<20488x1xf32, #tpu.memory_space<vmem>>, vector<1x1xf32>
        %add3A_56 = arith.addf %get3A_55, %scan3A_24 : vector<1x1xf32>
        %swap3A_57 = arith.index_cast %scan3A_25 : i32 to index
        %swap3A_58 = arith.constant 0 : index
        %swap3A_59 = vector.load %arg5[%swap3A_57, %swap3A_58] : memref<20488x1xf32, #tpu.memory_space<vmem>>, vector<1x1xf32>
        tpu.vector_store %arg5[%swap3A_57, %swap3A_58], %add3A_56 {strides = array<i32>} : memref<20488x1xf32, #tpu.memory_space<vmem>>, vector<1x1xf32>,
      } else {
      }
      %add3A_40 = arith.addf %scan3A_23, %get3A_36 : vector<1x256xf32>
      %select_n3A = arith.select %ne3A, %get3A_36, %add3A_40 : vector<1x256xf32>
      %add3A_41 = arith.constant 1.000000e+00 : f32
      %add3A_42 = vector.broadcast %add3A_41 : f32 to vector<1x1xf32>
      %add3A_43 = arith.addf %scan3A_24, %add3A_42 : vector<1x1xf32>
      %jit3A = arith.constant 1.000000e+00 : f32
      %broadcast_in_dim3A_44 = vector.broadcast %jit3A : f32 to vector<1x1xf32>
      %select_n3A_45 = arith.select %ne3A, %broadcast_in_dim3A_44, %add3A_43 : vector<1x1xf32>
      scf.yield %select_n3A, %select_n3A_45, %get3A_33 : vector<1x256xf32>, vector<1x1xf32>, i32
    }
    %scan3A_10 = arith.constant 4000 : i32
    %get3A = arith.index_cast %scan3A_9#2 : i32 to index
    %get3A_11 = arith.constant 0 : index
    %get3A_12 = vector.load %arg4[%get3A, %get3A_11] : memref<20488x256xf32, #tpu.memory_space<vmem>>, vector<1x256xf32>
    %add3A = arith.addf %get3A_12, %scan3A_9#0 : vector<1x256xf32>
    %swap3A = arith.index_cast %scan3A_9#2 : i32 to index
    %swap3A_13 = arith.constant 0 : index
    %swap3A_14 = vector.load %arg4[%swap3A, %swap3A_13] : memref<20488x256xf32, #tpu.memory_space<vmem>>, vector<1x256xf32>
    tpu.vector_store %arg4[%swap3A, %swap3A_13], %add3A {strides = array<i32>} : memref<20488x256xf32, #tpu.memory_space<vmem>>, vector<1x256xf32>,
    %get3A_15 = arith.index_cast %scan3A_9#2 : i32 to index
    %get3A_16 = arith.constant 0 : index
    %get3A_17 = vector.load %arg5[%get3A_15, %get3A_16] : memref<20488x1xf32, #tpu.memory_space<vmem>>, vector<1x1xf32>
    %add3A_18 = arith.addf %get3A_17, %scan3A_9#1 : vector<1x1xf32>
    %swap3A_19 = arith.index_cast %scan3A_9#2 : i32 to index
    %swap3A_20 = arith.constant 0 : index
    %swap3A_21 = vector.load %arg5[%swap3A_19, %swap3A_20] : memref<20488x1xf32, #tpu.memory_space<vmem>>, vector<1x1xf32>
    tpu.vector_store %arg5[%swap3A_19, %swap3A_20], %add3A_18 {strides = array<i32>} : memref<20488x1xf32, #tpu.memory_space<vmem>>, vector<1x1xf32>,
    return
  }
  func.func @transform_0(%arg0: i32) -> (i32, i32, i32) {
    %c0_i32 = arith.constant 0 : i32
    %c0_i32_0 = arith.constant 0 : i32
    %c0_i32_1 = arith.constant 0 : i32
    return %arg0, %c0_i32, %c0_i32_0 : i32, i32, i32
  }
  func.func @transform_1(%arg0: i32) -> (i32, i32, i32) {
    %c0_i32 = arith.constant 0 : i32
    %c0_i32_0 = arith.constant 0 : i32
    %c0_i32_1 = arith.constant 0 : i32
    return %arg0, %c0_i32, %c0_i32_0 : i32, i32, i32
  }
  func.func @transform_2(%arg0: i32) -> (i32, i32) {
    %c0_i32 = arith.constant 0 : i32
    %c0_i32_0 = arith.constant 0 : i32
    %c0_i32_1 = arith.constant 0 : i32
    return %c0_i32, %c0_i32_0 : i32, i32
  }
  func.func @transform_3(%arg0: i32) -> (i32, i32) {
    %c0_i32 = arith.constant 0 : i32
    %c0_i32_0 = arith.constant 0 : i32
    %c0_i32_1 = arith.constant 0 : i32
    return %c0_i32, %c0_i32_0 : i32, i32
  }
  func.func @transform_4(%arg0: i32) -> (i32, i32) {
    %c0_i32 = arith.constant 0 : i32
    %c0_i32_0 = arith.constant 0 : i32
    %c0_i32_1 = arith.constant 0 : i32
    return %c0_i32, %c0_i32_0 : i32, i32
  }
}

module attributes {stable_mosaic.version = 14 : i64} {
  func.func @_combine_body(%arg0: i32, %arg1: memref<512x256xf32, #tpu.memory_space<vmem>>, %arg2: memref<512x256xf32, #tpu.memory_space<vmem>>, %arg3: memref<512x256xf32, #tpu.memory_space<vmem>>, %arg4: memref<512x1xf32, #tpu.memory_space<vmem>>, %arg5: memref<512x1xf32, #tpu.memory_space<vmem>>, %arg6: memref<256x256xf32, #tpu.memory_space<vmem>>, %arg7: memref<256x256xf32, #tpu.memory_space<vmem>>, %arg8: memref<256x256xf32, #tpu.memory_space<vmem>>, %arg9: memref<1x256xf32, #tpu.memory_space<vmem>>, %arg10: memref<512x256xf32, #tpu.memory_space<vmem>>) attributes {dimension_semantics = [#tpu.dimension_semantics<arbitrary>], iteration_bounds = array<i64: 20>, scalar_prefetch = 0 : i64, scratch_operands = 0 : i64, tpu.core_type = #tpu.core_type<tc>, window_params = [{transform_indices = @transform_0, window_bounds = array<i64: 512, 256>}, {transform_indices = @transform_1, window_bounds = array<i64: 512, 256>}, {transform_indices = @transform_2, window_bounds = array<i64: 512, 256>}, {transform_indices = @transform_3, window_bounds = array<i64: 512, 1>}, {transform_indices = @transform_4, window_bounds = array<i64: 512, 1>}, {pipeline_mode = #tpu.pipeline_mode<synchronous>, transform_indices = @transform_5, window_bounds = array<i64: 256, 256>}, {pipeline_mode = #tpu.pipeline_mode<synchronous>, transform_indices = @transform_6, window_bounds = array<i64: 256, 256>}, {pipeline_mode = #tpu.pipeline_mode<synchronous>, transform_indices = @transform_7, window_bounds = array<i64: 256, 256>}, {pipeline_mode = #tpu.pipeline_mode<synchronous>, transform_indices = @transform_8, window_bounds = array<i64: 1, 256>}, {transform_indices = @transform_9, window_bounds = array<i64: 512, 256>}]} {
    %get3A = arith.constant 0 : index
    %get3A_0 = arith.constant 0 : index
    %get3A_1 = vector.load %arg1[%get3A, %get3A_0] : memref<512x256xf32, #tpu.memory_space<vmem>>, vector<512x256xf32>
    %get3A_2 = arith.constant 0 : index
    %get3A_3 = arith.constant 0 : index
    %get3A_4 = vector.load %arg6[%get3A_2, %get3A_3] : memref<256x256xf32, #tpu.memory_space<vmem>>, vector<256x256xf32>
    %dot_general3A = arith.constant dense<0.000000e+00> : vector<512x256xf32>
    %dot_general3A_5 = tpu.matmul %get3A_1, %get3A_4, %dot_general3A {dimension_numbers = #tpu.dot_dimension_numbers<[1], [0], [0], [1], [0, 0, 1, 1], [], []>, transpose_lhs_hint = false} : vector<512x256xf32>, vector<256x256xf32>, vector<512x256xf32> -> vector<512x256xf32>
    %get3A_6 = arith.constant 0 : index
    %get3A_7 = arith.constant 0 : index
    %get3A_8 = vector.load %arg9[%get3A_6, %get3A_7] : memref<1x256xf32, #tpu.memory_space<vmem>>, vector<1x256xf32>
    %add3A = vector.broadcast %get3A_8 : vector<1x256xf32> to vector<512x256xf32>
    %add3A_9 = arith.addf %dot_general3A_5, %add3A : vector<512x256xf32>
    %get3A_10 = arith.constant 0 : index
    %get3A_11 = arith.constant 0 : index
    %get3A_12 = vector.load %arg2[%get3A_10, %get3A_11] : memref<512x256xf32, #tpu.memory_space<vmem>>, vector<512x256xf32>
    %get3A_13 = arith.constant 0 : index
    %get3A_14 = arith.constant 0 : index
    %get3A_15 = vector.load %arg4[%get3A_13, %get3A_14] : memref<512x1xf32, #tpu.memory_space<vmem>>, vector<512x1xf32>
    %max3A = arith.constant 1.000000e+00 : f32
    %max3A_16 = vector.broadcast %max3A : f32 to vector<512x1xf32>
    %max3A_17 = arith.maximumf %get3A_15, %max3A_16 : vector<512x1xf32>
    %div3A = vector.broadcast %max3A_17 : vector<512x1xf32> to vector<512x256xf32>
    %div3A_18 = arith.divf %get3A_12, %div3A : vector<512x256xf32>
    %get3A_19 = arith.constant 0 : index
    %get3A_20 = arith.constant 0 : index
    %get3A_21 = vector.load %arg3[%get3A_19, %get3A_20] : memref<512x256xf32, #tpu.memory_space<vmem>>, vector<512x256xf32>
    %get3A_22 = arith.constant 0 : index
    %get3A_23 = arith.constant 0 : index
    %get3A_24 = vector.load %arg5[%get3A_22, %get3A_23] : memref<512x1xf32, #tpu.memory_space<vmem>>, vector<512x1xf32>
    %max3A_25 = arith.constant 1.000000e+00 : f32
    %max3A_26 = vector.broadcast %max3A_25 : f32 to vector<512x1xf32>
    %max3A_27 = arith.maximumf %get3A_24, %max3A_26 : vector<512x1xf32>
    %div3A_28 = vector.broadcast %max3A_27 : vector<512x1xf32> to vector<512x256xf32>
    %div3A_29 = arith.divf %get3A_21, %div3A_28 : vector<512x256xf32>
    %get3A_30 = arith.constant 0 : index
    %get3A_31 = arith.constant 0 : index
    %get3A_32 = vector.load %arg7[%get3A_30, %get3A_31] : memref<256x256xf32, #tpu.memory_space<vmem>>, vector<256x256xf32>
    %dot_general3A_33 = arith.constant dense<0.000000e+00> : vector<512x256xf32>
    %dot_general3A_34 = tpu.matmul %div3A_18, %get3A_32, %dot_general3A_33 {dimension_numbers = #tpu.dot_dimension_numbers<[1], [0], [0], [1], [0, 0, 1, 1], [], []>, transpose_lhs_hint = false} : vector<512x256xf32>, vector<256x256xf32>, vector<512x256xf32> -> vector<512x256xf32>
    %add3A_35 = arith.addf %add3A_9, %dot_general3A_34 : vector<512x256xf32>
    %get3A_36 = arith.constant 0 : index
    %get3A_37 = arith.constant 0 : index
    %get3A_38 = vector.load %arg8[%get3A_36, %get3A_37] : memref<256x256xf32, #tpu.memory_space<vmem>>, vector<256x256xf32>
    %dot_general3A_39 = arith.constant dense<0.000000e+00> : vector<512x256xf32>
    %dot_general3A_40 = tpu.matmul %div3A_29, %get3A_38, %dot_general3A_39 {dimension_numbers = #tpu.dot_dimension_numbers<[1], [0], [0], [1], [0, 0, 1, 1], [], []>, transpose_lhs_hint = false} : vector<512x256xf32>, vector<256x256xf32>, vector<512x256xf32> -> vector<512x256xf32>
    %add3A_41 = arith.addf %add3A_35, %dot_general3A_40 : vector<512x256xf32>
    %swap3A = arith.constant 0 : index
    %swap3A_42 = arith.constant 0 : index
    %swap3A_43 = vector.load %arg10[%swap3A, %swap3A_42] : memref<512x256xf32, #tpu.memory_space<vmem>>, vector<512x256xf32>
    tpu.vector_store %arg10[%swap3A, %swap3A_42], %add3A_41 {strides = array<i32>} : memref<512x256xf32, #tpu.memory_space<vmem>>, vector<512x256xf32>,
    return
  }
  func.func @transform_0(%arg0: i32) -> (i32, i32) {
    %c0_i32 = arith.constant 0 : i32
    %c0_i32_0 = arith.constant 0 : i32
    return %arg0, %c0_i32 : i32, i32
  }
  func.func @transform_1(%arg0: i32) -> (i32, i32) {
    %c0_i32 = arith.constant 0 : i32
    %c0_i32_0 = arith.constant 0 : i32
    return %arg0, %c0_i32 : i32, i32
  }
  func.func @transform_2(%arg0: i32) -> (i32, i32) {
    %c0_i32 = arith.constant 0 : i32
    %c0_i32_0 = arith.constant 0 : i32
    return %arg0, %c0_i32 : i32, i32
  }
  func.func @transform_3(%arg0: i32) -> (i32, i32) {
    %c0_i32 = arith.constant 0 : i32
    %c0_i32_0 = arith.constant 0 : i32
    return %arg0, %c0_i32 : i32, i32
  }
  func.func @transform_4(%arg0: i32) -> (i32, i32) {
    %c0_i32 = arith.constant 0 : i32
    %c0_i32_0 = arith.constant 0 : i32
    return %arg0, %c0_i32 : i32, i32
  }
  func.func @transform_5(%arg0: i32) -> (i32, i32) {
    %c0_i32 = arith.constant 0 : i32
    %c0_i32_0 = arith.constant 0 : i32
    %c0_i32_1 = arith.constant 0 : i32
    return %c0_i32, %c0_i32_0 : i32, i32
  }
  func.func @transform_6(%arg0: i32) -> (i32, i32) {
    %c0_i32 = arith.constant 0 : i32
    %c0_i32_0 = arith.constant 0 : i32
    %c0_i32_1 = arith.constant 0 : i32
    return %c0_i32, %c0_i32_0 : i32, i32
  }
  func.func @transform_7(%arg0: i32) -> (i32, i32) {
    %c0_i32 = arith.constant 0 : i32
    %c0_i32_0 = arith.constant 0 : i32
    %c0_i32_1 = arith.constant 0 : i32
    return %c0_i32, %c0_i32_0 : i32, i32
  }
  func.func @transform_8(%arg0: i32) -> (i32, i32) {
    %c0_i32 = arith.constant 0 : i32
    %c0_i32_0 = arith.constant 0 : i32
    %c0_i32_1 = arith.constant 0 : i32
    return %c0_i32, %c0_i32_0 : i32, i32
  }
  func.func @transform_9(%arg0: i32) -> (i32, i32) {
    %c0_i32 = arith.constant 0 : i32
    %c0_i32_0 = arith.constant 0 : i32
    return %arg0, %c0_i32 : i32, i32
  }
}

module attributes {stable_mosaic.version = 14 : i64} {
  func.func @_agg_body(%arg0: i32, %arg1: memref<1x1x4000xi32, #tpu.memory_space<smem>>, %arg2: memref<1x1x4000xi32, #tpu.memory_space<smem>>, %arg3: memref<10240x256xf32, #tpu.memory_space<vmem>>, %arg4: memref<20488x256xf32, #tpu.memory_space<vmem>>, %arg5: memref<20488x1xf32, #tpu.memory_space<vmem>>) attributes {dimension_semantics = [#tpu.dimension_semantics<arbitrary>], iteration_bounds = array<i64: 40>, scalar_prefetch = 0 : i64, scratch_operands = 0 : i64, tpu.core_type = #tpu.core_type<tc>, window_params = [{transform_indices = @transform_0, window_bounds = array<i64: 1, 1, 4000>}, {transform_indices = @transform_1, window_bounds = array<i64: 1, 1, 4000>}, {pipeline_mode = #tpu.pipeline_mode<synchronous>, transform_indices = @transform_2, window_bounds = array<i64: 10240, 256>}, {pipeline_mode = #tpu.pipeline_mode<synchronous>, transform_indices = @transform_3, window_bounds = array<i64: 20488, 256>}, {pipeline_mode = #tpu.pipeline_mode<synchronous>, transform_indices = @transform_4, window_bounds = array<i64: 20488, 1>}]} {
    %eq3A = arith.constant 0 : i32
    %eq3A_0 = arith.cmpi eq, %arg0, %eq3A : i32
    %convert_element_type3A = arith.extui %eq3A_0 : i1 to i32
    %cond3A = arith.constant 0 : i32
    %cond3A_1 = arith.cmpi ne, %convert_element_type3A, %cond3A : i32
    scf.if %cond3A_1 {
      %broadcast_in_dim3A_22 = arith.constant 0.000000e+00 : f32
      %broadcast_in_dim3A_23 = vector.broadcast %broadcast_in_dim3A_22 : f32 to vector<20488x256xf32>
      %swap3A_24 = arith.constant 0 : index
      %swap3A_25 = arith.constant 0 : index
      %swap3A_26 = vector.load %arg4[%swap3A_24, %swap3A_25] : memref<20488x256xf32, #tpu.memory_space<vmem>>, vector<20488x256xf32>
      tpu.vector_store %arg4[%swap3A_24, %swap3A_25], %broadcast_in_dim3A_23 {strides = array<i32>} : memref<20488x256xf32, #tpu.memory_space<vmem>>, vector<20488x256xf32>,
      %broadcast_in_dim3A_27 = arith.constant 0.000000e+00 : f32
      %broadcast_in_dim3A_28 = vector.broadcast %broadcast_in_dim3A_27 : f32 to vector<20488x1xf32>
      %swap3A_29 = arith.constant 0 : index
      %swap3A_30 = arith.constant 0 : index
      %swap3A_31 = vector.load %arg5[%swap3A_29, %swap3A_30] : memref<20488x1xf32, #tpu.memory_space<vmem>>, vector<20488x1xf32>
      tpu.vector_store %arg5[%swap3A_29, %swap3A_30], %broadcast_in_dim3A_28 {strides = array<i32>} : memref<20488x1xf32, #tpu.memory_space<vmem>>, vector<20488x1xf32>,
    } else {
    }
    %broadcast_in_dim3A = arith.constant 0.000000e+00 : f32
    %broadcast_in_dim3A_2 = vector.broadcast %broadcast_in_dim3A : f32 to vector<1x256xf32>
    %broadcast_in_dim3A_3 = arith.constant 0.000000e+00 : f32
    %broadcast_in_dim3A_4 = vector.broadcast %broadcast_in_dim3A_3 : f32 to vector<1x1xf32>
    %scan3A = arith.constant 20487 : i32
    %scan3A_5 = arith.constant 0 : i32
    %scan3A_6 = arith.constant 4000 : i32
    %scan3A_7 = arith.addi %scan3A_5, %scan3A_6 : i32
    %scan3A_8 = arith.constant 1 : i32
    %scan3A_9:3 = scf.for %scan3A_22 = %scan3A_5 to %scan3A_7 step %scan3A_8 iter_args(%scan3A_23 = %broadcast_in_dim3A_2, %scan3A_24 = %broadcast_in_dim3A_4, %scan3A_25 = %scan3A) -> (vector<1x256xf32>, vector<1x1xf32>, i32)  : i32 {
      %get3A_26 = arith.constant 0 : index
      %get3A_27 = arith.constant 0 : index
      %get3A_28 = arith.index_cast %scan3A_22 : i32 to index
      %get3A_29 = memref.load %arg1[%get3A_26, %get3A_27, %get3A_28] : memref<1x1x4000xi32, #tpu.memory_space<smem>>
      %get3A_30 = arith.constant 0 : index
      %get3A_31 = arith.constant 0 : index
      %get3A_32 = arith.index_cast %scan3A_22 : i32 to index
      %get3A_33 = memref.load %arg2[%get3A_30, %get3A_31, %get3A_32] : memref<1x1x4000xi32, #tpu.memory_space<smem>>
      %get3A_34 = arith.index_cast %get3A_29 : i32 to index
      %get3A_35 = arith.constant 0 : index
      %get3A_36 = vector.load %arg3[%get3A_34, %get3A_35] : memref<10240x256xf32, #tpu.memory_space<vmem>>, vector<1x256xf32>
      %ne3A = arith.cmpi ne, %get3A_33, %scan3A_25 : i32
      %convert_element_type3A_37 = arith.extui %ne3A : i1 to i32
      %cond3A_38 = arith.constant 0 : i32
      %cond3A_39 = arith.cmpi ne, %convert_element_type3A_37, %cond3A_38 : i32
      scf.if %cond3A_39 {
        %get3A_46 = arith.index_cast %scan3A_25 : i32 to index
        %get3A_47 = arith.constant 0 : index
        %get3A_48 = vector.load %arg4[%get3A_46, %get3A_47] : memref<20488x256xf32, #tpu.memory_space<vmem>>, vector<1x256xf32>
        %add3A_49 = arith.addf %get3A_48, %scan3A_23 : vector<1x256xf32>
        %swap3A_50 = arith.index_cast %scan3A_25 : i32 to index
        %swap3A_51 = arith.constant 0 : index
        %swap3A_52 = vector.load %arg4[%swap3A_50, %swap3A_51] : memref<20488x256xf32, #tpu.memory_space<vmem>>, vector<1x256xf32>
        tpu.vector_store %arg4[%swap3A_50, %swap3A_51], %add3A_49 {strides = array<i32>} : memref<20488x256xf32, #tpu.memory_space<vmem>>, vector<1x256xf32>,
        %get3A_53 = arith.index_cast %scan3A_25 : i32 to index
        %get3A_54 = arith.constant 0 : index
        %get3A_55 = vector.load %arg5[%get3A_53, %get3A_54] : memref<20488x1xf32, #tpu.memory_space<vmem>>, vector<1x1xf32>
        %add3A_56 = arith.addf %get3A_55, %scan3A_24 : vector<1x1xf32>
        %swap3A_57 = arith.index_cast %scan3A_25 : i32 to index
        %swap3A_58 = arith.constant 0 : index
        %swap3A_59 = vector.load %arg5[%swap3A_57, %swap3A_58] : memref<20488x1xf32, #tpu.memory_space<vmem>>, vector<1x1xf32>
        tpu.vector_store %arg5[%swap3A_57, %swap3A_58], %add3A_56 {strides = array<i32>} : memref<20488x1xf32, #tpu.memory_space<vmem>>, vector<1x1xf32>,
      } else {
      }
      %add3A_40 = arith.addf %scan3A_23, %get3A_36 : vector<1x256xf32>
      %select_n3A = arith.select %ne3A, %get3A_36, %add3A_40 : vector<1x256xf32>
      %add3A_41 = arith.constant 1.000000e+00 : f32
      %add3A_42 = vector.broadcast %add3A_41 : f32 to vector<1x1xf32>
      %add3A_43 = arith.addf %scan3A_24, %add3A_42 : vector<1x1xf32>
      %jit3A = arith.constant 1.000000e+00 : f32
      %broadcast_in_dim3A_44 = vector.broadcast %jit3A : f32 to vector<1x1xf32>
      %select_n3A_45 = arith.select %ne3A, %broadcast_in_dim3A_44, %add3A_43 : vector<1x1xf32>
      scf.yield %select_n3A, %select_n3A_45, %get3A_33 : vector<1x256xf32>, vector<1x1xf32>, i32
    }
    %scan3A_10 = arith.constant 4000 : i32
    %get3A = arith.index_cast %scan3A_9#2 : i32 to index
    %get3A_11 = arith.constant 0 : index
    %get3A_12 = vector.load %arg4[%get3A, %get3A_11] : memref<20488x256xf32, #tpu.memory_space<vmem>>, vector<1x256xf32>
    %add3A = arith.addf %get3A_12, %scan3A_9#0 : vector<1x256xf32>
    %swap3A = arith.index_cast %scan3A_9#2 : i32 to index
    %swap3A_13 = arith.constant 0 : index
    %swap3A_14 = vector.load %arg4[%swap3A, %swap3A_13] : memref<20488x256xf32, #tpu.memory_space<vmem>>, vector<1x256xf32>
    tpu.vector_store %arg4[%swap3A, %swap3A_13], %add3A {strides = array<i32>} : memref<20488x256xf32, #tpu.memory_space<vmem>>, vector<1x256xf32>,
    %get3A_15 = arith.index_cast %scan3A_9#2 : i32 to index
    %get3A_16 = arith.constant 0 : index
    %get3A_17 = vector.load %arg5[%get3A_15, %get3A_16] : memref<20488x1xf32, #tpu.memory_space<vmem>>, vector<1x1xf32>
    %add3A_18 = arith.addf %get3A_17, %scan3A_9#1 : vector<1x1xf32>
    %swap3A_19 = arith.index_cast %scan3A_9#2 : i32 to index
    %swap3A_20 = arith.constant 0 : index
    %swap3A_21 = vector.load %arg5[%swap3A_19, %swap3A_20] : memref<20488x1xf32, #tpu.memory_space<vmem>>, vector<1x1xf32>
    tpu.vector_store %arg5[%swap3A_19, %swap3A_20], %add3A_18 {strides = array<i32>} : memref<20488x1xf32, #tpu.memory_space<vmem>>, vector<1x1xf32>,
    return
  }
  func.func @transform_0(%arg0: i32) -> (i32, i32, i32) {
    %c0_i32 = arith.constant 0 : i32
    %c0_i32_0 = arith.constant 0 : i32
    %c0_i32_1 = arith.constant 0 : i32
    return %arg0, %c0_i32, %c0_i32_0 : i32, i32, i32
  }
  func.func @transform_1(%arg0: i32) -> (i32, i32, i32) {
    %c0_i32 = arith.constant 0 : i32
    %c0_i32_0 = arith.constant 0 : i32
    %c0_i32_1 = arith.constant 0 : i32
    return %arg0, %c0_i32, %c0_i32_0 : i32, i32, i32
  }
  func.func @transform_2(%arg0: i32) -> (i32, i32) {
    %c0_i32 = arith.constant 0 : i32
    %c0_i32_0 = arith.constant 0 : i32
    %c0_i32_1 = arith.constant 0 : i32
    return %c0_i32, %c0_i32_0 : i32, i32
  }
  func.func @transform_3(%arg0: i32) -> (i32, i32) {
    %c0_i32 = arith.constant 0 : i32
    %c0_i32_0 = arith.constant 0 : i32
    %c0_i32_1 = arith.constant 0 : i32
    return %c0_i32, %c0_i32_0 : i32, i32
  }
  func.func @transform_4(%arg0: i32) -> (i32, i32) {
    %c0_i32 = arith.constant 0 : i32
    %c0_i32_0 = arith.constant 0 : i32
    %c0_i32_1 = arith.constant 0 : i32
    return %c0_i32, %c0_i32_0 : i32, i32
  }
}

module attributes {stable_mosaic.version = 14 : i64} {
  func.func @_moe_body(%arg0: i32, %arg1: memref<512x256xf32, #tpu.memory_space<vmem>>, %arg2: memref<256x8xf32, #tpu.memory_space<vmem>>, %arg3: memref<8x256x256xf32, #tpu.memory_space<vmem>>, %arg4: memref<8x256xf32, #tpu.memory_space<vmem>>, %arg5: memref<8x256x2xf32, #tpu.memory_space<vmem>>, %arg6: memref<8x2xf32, #tpu.memory_space<vmem>>, %arg7: memref<512x2xf32, #tpu.memory_space<vmem>>) attributes {dimension_semantics = [#tpu.dimension_semantics<arbitrary>], iteration_bounds = array<i64: 20>, scalar_prefetch = 0 : i64, scratch_operands = 0 : i64, tpu.core_type = #tpu.core_type<tc>, window_params = [{transform_indices = @transform_0, window_bounds = array<i64: 512, 256>}, {pipeline_mode = #tpu.pipeline_mode<synchronous>, transform_indices = @transform_1, window_bounds = array<i64: 256, 8>}, {pipeline_mode = #tpu.pipeline_mode<synchronous>, transform_indices = @transform_2, window_bounds = array<i64: 8, 256, 256>}, {pipeline_mode = #tpu.pipeline_mode<synchronous>, transform_indices = @transform_3, window_bounds = array<i64: 8, 256>}, {pipeline_mode = #tpu.pipeline_mode<synchronous>, transform_indices = @transform_4, window_bounds = array<i64: 8, 256, 2>}, {pipeline_mode = #tpu.pipeline_mode<synchronous>, transform_indices = @transform_5, window_bounds = array<i64: 8, 2>}, {transform_indices = @transform_6, window_bounds = array<i64: 512, 2>}]} {
    %get3A = arith.constant 0 : index
    %get3A_0 = arith.constant 0 : index
    %get3A_1 = vector.load %arg1[%get3A, %get3A_0] : memref<512x256xf32, #tpu.memory_space<vmem>>, vector<512x256xf32>
    %get3A_2 = arith.constant 0 : index
    %get3A_3 = arith.constant 0 : index
    %get3A_4 = vector.load %arg2[%get3A_2, %get3A_3] : memref<256x8xf32, #tpu.memory_space<vmem>>, vector<256x8xf32>
    %dot_general3A = arith.constant dense<0.000000e+00> : vector<512x8xf32>
    %dot_general3A_5 = tpu.matmul %get3A_1, %get3A_4, %dot_general3A {dimension_numbers = #tpu.dot_dimension_numbers<[1], [0], [0], [1], [0, 0, 1, 1], [], []>, transpose_lhs_hint = false} : vector<512x256xf32>, vector<256x8xf32>, vector<512x8xf32> -> vector<512x8xf32>
    %iota3A = tpu.iota {dimensions = array<i32: 1>} : vector<512x8xi32>
    %reduce_max3A = arith.constant dense<0xFF800000> : vector<512xf32>
    %reduce_max3A_6 = vector.multi_reduction <maximumf>, %dot_general3A_5, %reduce_max3A [1] : vector<512x8xf32> to vector<512xf32>
    %broadcast_in_dim3A = vector.shape_cast %reduce_max3A_6 : vector<512xf32> to vector<512x1xf32>
    %argmax3A = tpu.reduce_index %dot_general3A_5 {axis = 1 : i32, kind = #tpu.reduction_kind<arg_max>} : vector<512x8xf32> -> vector<512xi32>
    %broadcast_in_dim3A_7 = vector.shape_cast %argmax3A : vector<512xi32> to vector<512x1xi32>
    %eq3A = vector.broadcast %broadcast_in_dim3A_7 : vector<512x1xi32> to vector<512x8xi32>
    %eq3A_8 = arith.cmpi eq, %iota3A, %eq3A : vector<512x8xi32>
    %jit3A = arith.constant 0xFF800000 : f32
    %broadcast_in_dim3A_9 = vector.broadcast %jit3A : f32 to vector<512x8xf32>
    %select_n3A = arith.select %eq3A_8, %broadcast_in_dim3A_9, %dot_general3A_5 : vector<512x8xi1>, vector<512x8xf32>
    %reduce_max3A_10 = arith.constant dense<0xFF800000> : vector<512xf32>
    %reduce_max3A_11 = vector.multi_reduction <maximumf>, %select_n3A, %reduce_max3A_10 [1] : vector<512x8xf32> to vector<512xf32>
    %broadcast_in_dim3A_12 = vector.shape_cast %reduce_max3A_11 : vector<512xf32> to vector<512x1xf32>
    %argmax3A_13 = tpu.reduce_index %select_n3A {axis = 1 : i32, kind = #tpu.reduction_kind<arg_max>} : vector<512x8xf32> -> vector<512xi32>
    %broadcast_in_dim3A_14 = vector.shape_cast %argmax3A_13 : vector<512xi32> to vector<512x1xi32>
    %sub3A = arith.subf %broadcast_in_dim3A_12, %broadcast_in_dim3A : vector<512x1xf32>
    %exp3A = math.exp %sub3A : vector<512x1xf32>
    %add3A = arith.constant 1.000000e+00 : f32
    %add3A_15 = vector.broadcast %add3A : f32 to vector<512x1xf32>
    %add3A_16 = arith.addf %add3A_15, %exp3A : vector<512x1xf32>
    %div3A = arith.constant 1.000000e+00 : f32
    %div3A_17 = vector.broadcast %div3A : f32 to vector<512x1xf32>
    %div3A_18 = arith.divf %div3A_17, %add3A_16 : vector<512x1xf32>
    %div3A_19 = arith.divf %exp3A, %add3A_16 : vector<512x1xf32>
    %broadcast_in_dim3A_20 = arith.constant 0.000000e+00 : f32
    %broadcast_in_dim3A_21 = vector.broadcast %broadcast_in_dim3A_20 : f32 to vector<512x2xf32>
    %get3A_22 = arith.constant 0 : index
    %get3A_23 = arith.constant 0 : index
    %get3A_24 = arith.constant 0 : index
    %get3A_25 = vector.load %arg3[%get3A_22, %get3A_23, %get3A_24] : memref<8x256x256xf32, #tpu.memory_space<vmem>>, vector<1x256x256xf32>
    %get3A_26 = vector.shape_cast %get3A_25 : vector<1x256x256xf32> to vector<256x256xf32>
    %dot_general3A_27 = arith.constant dense<0.000000e+00> : vector<512x256xf32>
    %dot_general3A_28 = tpu.matmul %get3A_1, %get3A_26, %dot_general3A_27 {dimension_numbers = #tpu.dot_dimension_numbers<[1], [0], [0], [1], [0, 0, 1, 1], [], []>, transpose_lhs_hint = false} : vector<512x256xf32>, vector<256x256xf32>, vector<512x256xf32> -> vector<512x256xf32>
    %get3A_29 = arith.constant 0 : index
    %get3A_30 = arith.constant 0 : index
    %get3A_31 = vector.load %arg4[%get3A_29, %get3A_30] : memref<8x256xf32, #tpu.memory_space<vmem>>, vector<8x256xf32>
    %slice3A = vector.extract_strided_slice %get3A_31 {offsets = [0, 0], sizes = [1, 256], strides = [1, 1]} : vector<8x256xf32> to vector<1x256xf32>
    %squeeze3A = vector.shape_cast %slice3A : vector<1x256xf32> to vector<256xf32>
    %broadcast_in_dim3A_32 = vector.shape_cast %squeeze3A : vector<256xf32> to vector<1x256xf32>
    %add3A_33 = vector.broadcast %broadcast_in_dim3A_32 : vector<1x256xf32> to vector<512x256xf32>
    %add3A_34 = arith.addf %dot_general3A_28, %add3A_33 : vector<512x256xf32>
    %ge3A = arith.constant 0.000000e+00 : f32
    %ge3A_35 = vector.broadcast %ge3A : f32 to vector<512x256xf32>
    %ge3A_36 = arith.cmpf oge, %add3A_34, %ge3A_35 : vector<512x256xf32>
    %mul3A = arith.constant 0.00999999977 : f32
    %mul3A_37 = vector.broadcast %mul3A : f32 to vector<512x256xf32>
    %mul3A_38 = arith.mulf %mul3A_37, %add3A_34 : vector<512x256xf32>
    %select_n3A_39 = arith.select %ge3A_36, %add3A_34, %mul3A_38 : vector<512x256xi1>, vector<512x256xf32>
    %get3A_40 = arith.constant 0 : index
    %get3A_41 = arith.constant 0 : index
    %get3A_42 = arith.constant 0 : index
    %get3A_43 = vector.load %arg5[%get3A_40, %get3A_41, %get3A_42] : memref<8x256x2xf32, #tpu.memory_space<vmem>>, vector<1x256x2xf32>
    %get3A_44 = vector.shape_cast %get3A_43 : vector<1x256x2xf32> to vector<256x2xf32>
    %dot_general3A_45 = arith.constant dense<0.000000e+00> : vector<512x2xf32>
    %dot_general3A_46 = tpu.matmul %select_n3A_39, %get3A_44, %dot_general3A_45 {dimension_numbers = #tpu.dot_dimension_numbers<[1], [0], [0], [1], [0, 0, 1, 1], [], []>, transpose_lhs_hint = false} : vector<512x256xf32>, vector<256x2xf32>, vector<512x2xf32> -> vector<512x2xf32>
    %get3A_47 = arith.constant 0 : index
    %get3A_48 = arith.constant 0 : index
    %get3A_49 = vector.load %arg6[%get3A_47, %get3A_48] : memref<8x2xf32, #tpu.memory_space<vmem>>, vector<8x2xf32>
    %slice3A_50 = vector.extract_strided_slice %get3A_49 {offsets = [0, 0], sizes = [1, 2], strides = [1, 1]} : vector<8x2xf32> to vector<1x2xf32>
    %squeeze3A_51 = vector.shape_cast %slice3A_50 : vector<1x2xf32> to vector<2xf32>
    %broadcast_in_dim3A_52 = vector.shape_cast %squeeze3A_51 : vector<2xf32> to vector<1x2xf32>
    %add3A_53 = vector.broadcast %broadcast_in_dim3A_52 : vector<1x2xf32> to vector<512x2xf32>
    %add3A_54 = arith.addf %dot_general3A_46, %add3A_53 : vector<512x2xf32>
    %eq3A_55 = arith.constant 0 : i32
    %eq3A_56 = vector.broadcast %eq3A_55 : i32 to vector<512x1xi32>
    %eq3A_57 = arith.cmpi eq, %broadcast_in_dim3A_7, %eq3A_56 : vector<512x1xi32>
    %jit3A_58 = arith.constant 0.000000e+00 : f32
    %broadcast_in_dim3A_59 = vector.broadcast %jit3A_58 : f32 to vector<512x1xf32>
    %select_n3A_60 = arith.select %eq3A_57, %div3A_18, %broadcast_in_dim3A_59 : vector<512x1xi1>, vector<512x1xf32>
    %eq3A_61 = arith.constant 0 : i32
    %eq3A_62 = vector.broadcast %eq3A_61 : i32 to vector<512x1xi32>
    %eq3A_63 = arith.cmpi eq, %broadcast_in_dim3A_14, %eq3A_62 : vector<512x1xi32>
    %jit3A_64 = arith.constant 0.000000e+00 : f32
    %broadcast_in_dim3A_65 = vector.broadcast %jit3A_64 : f32 to vector<512x1xf32>
    %select_n3A_66 = arith.select %eq3A_63, %div3A_19, %broadcast_in_dim3A_65 : vector<512x1xi1>, vector<512x1xf32>
    %add3A_67 = arith.addf %select_n3A_60, %select_n3A_66 : vector<512x1xf32>
    %mul3A_68 = vector.broadcast %add3A_67 : vector<512x1xf32> to vector<512x2xf32>
    %mul3A_69 = arith.mulf %mul3A_68, %add3A_54 : vector<512x2xf32>
    %add3A_70 = arith.addf %broadcast_in_dim3A_21, %mul3A_69 : vector<512x2xf32>
    %get3A_71 = arith.constant 1 : index
    %get3A_72 = arith.constant 0 : index
    %get3A_73 = arith.constant 0 : index
    %get3A_74 = vector.load %arg3[%get3A_71, %get3A_72, %get3A_73] : memref<8x256x256xf32, #tpu.memory_space<vmem>>, vector<1x256x256xf32>
    %get3A_75 = vector.shape_cast %get3A_74 : vector<1x256x256xf32> to vector<256x256xf32>
    %dot_general3A_76 = arith.constant dense<0.000000e+00> : vector<512x256xf32>
    %dot_general3A_77 = tpu.matmul %get3A_1, %get3A_75, %dot_general3A_76 {dimension_numbers = #tpu.dot_dimension_numbers<[1], [0], [0], [1], [0, 0, 1, 1], [], []>, transpose_lhs_hint = false} : vector<512x256xf32>, vector<256x256xf32>, vector<512x256xf32> -> vector<512x256xf32>
    %get3A_78 = arith.constant 0 : index
    %get3A_79 = arith.constant 0 : index
    %get3A_80 = vector.load %arg4[%get3A_78, %get3A_79] : memref<8x256xf32, #tpu.memory_space<vmem>>, vector<8x256xf32>
    %slice3A_81 = vector.extract_strided_slice %get3A_80 {offsets = [1, 0], sizes = [1, 256], strides = [1, 1]} : vector<8x256xf32> to vector<1x256xf32>
    %squeeze3A_82 = vector.shape_cast %slice3A_81 : vector<1x256xf32> to vector<256xf32>
    %broadcast_in_dim3A_83 = vector.shape_cast %squeeze3A_82 : vector<256xf32> to vector<1x256xf32>
    %add3A_84 = vector.broadcast %broadcast_in_dim3A_83 : vector<1x256xf32> to vector<512x256xf32>
    %add3A_85 = arith.addf %dot_general3A_77, %add3A_84 : vector<512x256xf32>
    %ge3A_86 = arith.constant 0.000000e+00 : f32
    %ge3A_87 = vector.broadcast %ge3A_86 : f32 to vector<512x256xf32>
    %ge3A_88 = arith.cmpf oge, %add3A_85, %ge3A_87 : vector<512x256xf32>
    %mul3A_89 = arith.constant 0.00999999977 : f32
    %mul3A_90 = vector.broadcast %mul3A_89 : f32 to vector<512x256xf32>
    %mul3A_91 = arith.mulf %mul3A_90, %add3A_85 : vector<512x256xf32>
    %select_n3A_92 = arith.select %ge3A_88, %add3A_85, %mul3A_91 : vector<512x256xi1>, vector<512x256xf32>
    %get3A_93 = arith.constant 1 : index
    %get3A_94 = arith.constant 0 : index
    %get3A_95 = arith.constant 0 : index
    %get3A_96 = vector.load %arg5[%get3A_93, %get3A_94, %get3A_95] : memref<8x256x2xf32, #tpu.memory_space<vmem>>, vector<1x256x2xf32>
    %get3A_97 = vector.shape_cast %get3A_96 : vector<1x256x2xf32> to vector<256x2xf32>
    %dot_general3A_98 = arith.constant dense<0.000000e+00> : vector<512x2xf32>
    %dot_general3A_99 = tpu.matmul %select_n3A_92, %get3A_97, %dot_general3A_98 {dimension_numbers = #tpu.dot_dimension_numbers<[1], [0], [0], [1], [0, 0, 1, 1], [], []>, transpose_lhs_hint = false} : vector<512x256xf32>, vector<256x2xf32>, vector<512x2xf32> -> vector<512x2xf32>
    %get3A_100 = arith.constant 0 : index
    %get3A_101 = arith.constant 0 : index
    %get3A_102 = vector.load %arg6[%get3A_100, %get3A_101] : memref<8x2xf32, #tpu.memory_space<vmem>>, vector<8x2xf32>
    %slice3A_103 = vector.extract_strided_slice %get3A_102 {offsets = [1, 0], sizes = [1, 2], strides = [1, 1]} : vector<8x2xf32> to vector<1x2xf32>
    %squeeze3A_104 = vector.shape_cast %slice3A_103 : vector<1x2xf32> to vector<2xf32>
    %broadcast_in_dim3A_105 = vector.shape_cast %squeeze3A_104 : vector<2xf32> to vector<1x2xf32>
    %add3A_106 = vector.broadcast %broadcast_in_dim3A_105 : vector<1x2xf32> to vector<512x2xf32>
    %add3A_107 = arith.addf %dot_general3A_99, %add3A_106 : vector<512x2xf32>
    %eq3A_108 = arith.constant 1 : i32
    %eq3A_109 = vector.broadcast %eq3A_108 : i32 to vector<512x1xi32>
    %eq3A_110 = arith.cmpi eq, %broadcast_in_dim3A_7, %eq3A_109 : vector<512x1xi32>
    %jit3A_111 = arith.constant 0.000000e+00 : f32
    %broadcast_in_dim3A_112 = vector.broadcast %jit3A_111 : f32 to vector<512x1xf32>
    %select_n3A_113 = arith.select %eq3A_110, %div3A_18, %broadcast_in_dim3A_112 : vector<512x1xi1>, vector<512x1xf32>
    %eq3A_114 = arith.constant 1 : i32
    %eq3A_115 = vector.broadcast %eq3A_114 : i32 to vector<512x1xi32>
    %eq3A_116 = arith.cmpi eq, %broadcast_in_dim3A_14, %eq3A_115 : vector<512x1xi32>
    %jit3A_117 = arith.constant 0.000000e+00 : f32
    %broadcast_in_dim3A_118 = vector.broadcast %jit3A_117 : f32 to vector<512x1xf32>
    %select_n3A_119 = arith.select %eq3A_116, %div3A_19, %broadcast_in_dim3A_118 : vector<512x1xi1>, vector<512x1xf32>
    %add3A_120 = arith.addf %select_n3A_113, %select_n3A_119 : vector<512x1xf32>
    %mul3A_121 = vector.broadcast %add3A_120 : vector<512x1xf32> to vector<512x2xf32>
    %mul3A_122 = arith.mulf %mul3A_121, %add3A_107 : vector<512x2xf32>
    %add3A_123 = arith.addf %add3A_70, %mul3A_122 : vector<512x2xf32>
    %get3A_124 = arith.constant 2 : index
    %get3A_125 = arith.constant 0 : index
    %get3A_126 = arith.constant 0 : index
    %get3A_127 = vector.load %arg3[%get3A_124, %get3A_125, %get3A_126] : memref<8x256x256xf32, #tpu.memory_space<vmem>>, vector<1x256x256xf32>
    %get3A_128 = vector.shape_cast %get3A_127 : vector<1x256x256xf32> to vector<256x256xf32>
    %dot_general3A_129 = arith.constant dense<0.000000e+00> : vector<512x256xf32>
    %dot_general3A_130 = tpu.matmul %get3A_1, %get3A_128, %dot_general3A_129 {dimension_numbers = #tpu.dot_dimension_numbers<[1], [0], [0], [1], [0, 0, 1, 1], [], []>, transpose_lhs_hint = false} : vector<512x256xf32>, vector<256x256xf32>, vector<512x256xf32> -> vector<512x256xf32>
    %get3A_131 = arith.constant 0 : index
    %get3A_132 = arith.constant 0 : index
    %get3A_133 = vector.load %arg4[%get3A_131, %get3A_132] : memref<8x256xf32, #tpu.memory_space<vmem>>, vector<8x256xf32>
    %slice3A_134 = vector.extract_strided_slice %get3A_133 {offsets = [2, 0], sizes = [1, 256], strides = [1, 1]} : vector<8x256xf32> to vector<1x256xf32>
    %squeeze3A_135 = vector.shape_cast %slice3A_134 : vector<1x256xf32> to vector<256xf32>
    %broadcast_in_dim3A_136 = vector.shape_cast %squeeze3A_135 : vector<256xf32> to vector<1x256xf32>
    %add3A_137 = vector.broadcast %broadcast_in_dim3A_136 : vector<1x256xf32> to vector<512x256xf32>
    %add3A_138 = arith.addf %dot_general3A_130, %add3A_137 : vector<512x256xf32>
    %ge3A_139 = arith.constant 0.000000e+00 : f32
    %ge3A_140 = vector.broadcast %ge3A_139 : f32 to vector<512x256xf32>
    %ge3A_141 = arith.cmpf oge, %add3A_138, %ge3A_140 : vector<512x256xf32>
    %mul3A_142 = arith.constant 0.00999999977 : f32
    %mul3A_143 = vector.broadcast %mul3A_142 : f32 to vector<512x256xf32>
    %mul3A_144 = arith.mulf %mul3A_143, %add3A_138 : vector<512x256xf32>
    %select_n3A_145 = arith.select %ge3A_141, %add3A_138, %mul3A_144 : vector<512x256xi1>, vector<512x256xf32>
    %get3A_146 = arith.constant 2 : index
    %get3A_147 = arith.constant 0 : index
    %get3A_148 = arith.constant 0 : index
    %get3A_149 = vector.load %arg5[%get3A_146, %get3A_147, %get3A_148] : memref<8x256x2xf32, #tpu.memory_space<vmem>>, vector<1x256x2xf32>
    %get3A_150 = vector.shape_cast %get3A_149 : vector<1x256x2xf32> to vector<256x2xf32>
    %dot_general3A_151 = arith.constant dense<0.000000e+00> : vector<512x2xf32>
    %dot_general3A_152 = tpu.matmul %select_n3A_145, %get3A_150, %dot_general3A_151 {dimension_numbers = #tpu.dot_dimension_numbers<[1], [0], [0], [1], [0, 0, 1, 1], [], []>, transpose_lhs_hint = false} : vector<512x256xf32>, vector<256x2xf32>, vector<512x2xf32> -> vector<512x2xf32>
    %get3A_153 = arith.constant 0 : index
    %get3A_154 = arith.constant 0 : index
    %get3A_155 = vector.load %arg6[%get3A_153, %get3A_154] : memref<8x2xf32, #tpu.memory_space<vmem>>, vector<8x2xf32>
    %slice3A_156 = vector.extract_strided_slice %get3A_155 {offsets = [2, 0], sizes = [1, 2], strides = [1, 1]} : vector<8x2xf32> to vector<1x2xf32>
    %squeeze3A_157 = vector.shape_cast %slice3A_156 : vector<1x2xf32> to vector<2xf32>
    %broadcast_in_dim3A_158 = vector.shape_cast %squeeze3A_157 : vector<2xf32> to vector<1x2xf32>
    %add3A_159 = vector.broadcast %broadcast_in_dim3A_158 : vector<1x2xf32> to vector<512x2xf32>
    %add3A_160 = arith.addf %dot_general3A_152, %add3A_159 : vector<512x2xf32>
    %eq3A_161 = arith.constant 2 : i32
    %eq3A_162 = vector.broadcast %eq3A_161 : i32 to vector<512x1xi32>
    %eq3A_163 = arith.cmpi eq, %broadcast_in_dim3A_7, %eq3A_162 : vector<512x1xi32>
    %jit3A_164 = arith.constant 0.000000e+00 : f32
    %broadcast_in_dim3A_165 = vector.broadcast %jit3A_164 : f32 to vector<512x1xf32>
    %select_n3A_166 = arith.select %eq3A_163, %div3A_18, %broadcast_in_dim3A_165 : vector<512x1xi1>, vector<512x1xf32>
    %eq3A_167 = arith.constant 2 : i32
    %eq3A_168 = vector.broadcast %eq3A_167 : i32 to vector<512x1xi32>
    %eq3A_169 = arith.cmpi eq, %broadcast_in_dim3A_14, %eq3A_168 : vector<512x1xi32>
    %jit3A_170 = arith.constant 0.000000e+00 : f32
    %broadcast_in_dim3A_171 = vector.broadcast %jit3A_170 : f32 to vector<512x1xf32>
    %select_n3A_172 = arith.select %eq3A_169, %div3A_19, %broadcast_in_dim3A_171 : vector<512x1xi1>, vector<512x1xf32>
    %add3A_173 = arith.addf %select_n3A_166, %select_n3A_172 : vector<512x1xf32>
    %mul3A_174 = vector.broadcast %add3A_173 : vector<512x1xf32> to vector<512x2xf32>
    %mul3A_175 = arith.mulf %mul3A_174, %add3A_160 : vector<512x2xf32>
    %add3A_176 = arith.addf %add3A_123, %mul3A_175 : vector<512x2xf32>
    %get3A_177 = arith.constant 3 : index
    %get3A_178 = arith.constant 0 : index
    %get3A_179 = arith.constant 0 : index
    %get3A_180 = vector.load %arg3[%get3A_177, %get3A_178, %get3A_179] : memref<8x256x256xf32, #tpu.memory_space<vmem>>, vector<1x256x256xf32>
    %get3A_181 = vector.shape_cast %get3A_180 : vector<1x256x256xf32> to vector<256x256xf32>
    %dot_general3A_182 = arith.constant dense<0.000000e+00> : vector<512x256xf32>
    %dot_general3A_183 = tpu.matmul %get3A_1, %get3A_181, %dot_general3A_182 {dimension_numbers = #tpu.dot_dimension_numbers<[1], [0], [0], [1], [0, 0, 1, 1], [], []>, transpose_lhs_hint = false} : vector<512x256xf32>, vector<256x256xf32>, vector<512x256xf32> -> vector<512x256xf32>
    %get3A_184 = arith.constant 0 : index
    %get3A_185 = arith.constant 0 : index
    %get3A_186 = vector.load %arg4[%get3A_184, %get3A_185] : memref<8x256xf32, #tpu.memory_space<vmem>>, vector<8x256xf32>
    %slice3A_187 = vector.extract_strided_slice %get3A_186 {offsets = [3, 0], sizes = [1, 256], strides = [1, 1]} : vector<8x256xf32> to vector<1x256xf32>
    %squeeze3A_188 = vector.shape_cast %slice3A_187 : vector<1x256xf32> to vector<256xf32>
    %broadcast_in_dim3A_189 = vector.shape_cast %squeeze3A_188 : vector<256xf32> to vector<1x256xf32>
    %add3A_190 = vector.broadcast %broadcast_in_dim3A_189 : vector<1x256xf32> to vector<512x256xf32>
    %add3A_191 = arith.addf %dot_general3A_183, %add3A_190 : vector<512x256xf32>
    %ge3A_192 = arith.constant 0.000000e+00 : f32
    %ge3A_193 = vector.broadcast %ge3A_192 : f32 to vector<512x256xf32>
    %ge3A_194 = arith.cmpf oge, %add3A_191, %ge3A_193 : vector<512x256xf32>
    %mul3A_195 = arith.constant 0.00999999977 : f32
    %mul3A_196 = vector.broadcast %mul3A_195 : f32 to vector<512x256xf32>
    %mul3A_197 = arith.mulf %mul3A_196, %add3A_191 : vector<512x256xf32>
    %select_n3A_198 = arith.select %ge3A_194, %add3A_191, %mul3A_197 : vector<512x256xi1>, vector<512x256xf32>
    %get3A_199 = arith.constant 3 : index
    %get3A_200 = arith.constant 0 : index
    %get3A_201 = arith.constant 0 : index
    %get3A_202 = vector.load %arg5[%get3A_199, %get3A_200, %get3A_201] : memref<8x256x2xf32, #tpu.memory_space<vmem>>, vector<1x256x2xf32>
    %get3A_203 = vector.shape_cast %get3A_202 : vector<1x256x2xf32> to vector<256x2xf32>
    %dot_general3A_204 = arith.constant dense<0.000000e+00> : vector<512x2xf32>
    %dot_general3A_205 = tpu.matmul %select_n3A_198, %get3A_203, %dot_general3A_204 {dimension_numbers = #tpu.dot_dimension_numbers<[1], [0], [0], [1], [0, 0, 1, 1], [], []>, transpose_lhs_hint = false} : vector<512x256xf32>, vector<256x2xf32>, vector<512x2xf32> -> vector<512x2xf32>
    %get3A_206 = arith.constant 0 : index
    %get3A_207 = arith.constant 0 : index
    %get3A_208 = vector.load %arg6[%get3A_206, %get3A_207] : memref<8x2xf32, #tpu.memory_space<vmem>>, vector<8x2xf32>
    %slice3A_209 = vector.extract_strided_slice %get3A_208 {offsets = [3, 0], sizes = [1, 2], strides = [1, 1]} : vector<8x2xf32> to vector<1x2xf32>
    %squeeze3A_210 = vector.shape_cast %slice3A_209 : vector<1x2xf32> to vector<2xf32>
    %broadcast_in_dim3A_211 = vector.shape_cast %squeeze3A_210 : vector<2xf32> to vector<1x2xf32>
    %add3A_212 = vector.broadcast %broadcast_in_dim3A_211 : vector<1x2xf32> to vector<512x2xf32>
    %add3A_213 = arith.addf %dot_general3A_205, %add3A_212 : vector<512x2xf32>
    %eq3A_214 = arith.constant 3 : i32
    %eq3A_215 = vector.broadcast %eq3A_214 : i32 to vector<512x1xi32>
    %eq3A_216 = arith.cmpi eq, %broadcast_in_dim3A_7, %eq3A_215 : vector<512x1xi32>
    %jit3A_217 = arith.constant 0.000000e+00 : f32
    %broadcast_in_dim3A_218 = vector.broadcast %jit3A_217 : f32 to vector<512x1xf32>
    %select_n3A_219 = arith.select %eq3A_216, %div3A_18, %broadcast_in_dim3A_218 : vector<512x1xi1>, vector<512x1xf32>
    %eq3A_220 = arith.constant 3 : i32
    %eq3A_221 = vector.broadcast %eq3A_220 : i32 to vector<512x1xi32>
    %eq3A_222 = arith.cmpi eq, %broadcast_in_dim3A_14, %eq3A_221 : vector<512x1xi32>
    %jit3A_223 = arith.constant 0.000000e+00 : f32
    %broadcast_in_dim3A_224 = vector.broadcast %jit3A_223 : f32 to vector<512x1xf32>
    %select_n3A_225 = arith.select %eq3A_222, %div3A_19, %broadcast_in_dim3A_224 : vector<512x1xi1>, vector<512x1xf32>
    %add3A_226 = arith.addf %select_n3A_219, %select_n3A_225 : vector<512x1xf32>
    %mul3A_227 = vector.broadcast %add3A_226 : vector<512x1xf32> to vector<512x2xf32>
    %mul3A_228 = arith.mulf %mul3A_227, %add3A_213 : vector<512x2xf32>
    %add3A_229 = arith.addf %add3A_176, %mul3A_228 : vector<512x2xf32>
    %get3A_230 = arith.constant 4 : index
    %get3A_231 = arith.constant 0 : index
    %get3A_232 = arith.constant 0 : index
    %get3A_233 = vector.load %arg3[%get3A_230, %get3A_231, %get3A_232] : memref<8x256x256xf32, #tpu.memory_space<vmem>>, vector<1x256x256xf32>
    %get3A_234 = vector.shape_cast %get3A_233 : vector<1x256x256xf32> to vector<256x256xf32>
    %dot_general3A_235 = arith.constant dense<0.000000e+00> : vector<512x256xf32>
    %dot_general3A_236 = tpu.matmul %get3A_1, %get3A_234, %dot_general3A_235 {dimension_numbers = #tpu.dot_dimension_numbers<[1], [0], [0], [1], [0, 0, 1, 1], [], []>, transpose_lhs_hint = false} : vector<512x256xf32>, vector<256x256xf32>, vector<512x256xf32> -> vector<512x256xf32>
    %get3A_237 = arith.constant 0 : index
    %get3A_238 = arith.constant 0 : index
    %get3A_239 = vector.load %arg4[%get3A_237, %get3A_238] : memref<8x256xf32, #tpu.memory_space<vmem>>, vector<8x256xf32>
    %slice3A_240 = vector.extract_strided_slice %get3A_239 {offsets = [4, 0], sizes = [1, 256], strides = [1, 1]} : vector<8x256xf32> to vector<1x256xf32>
    %squeeze3A_241 = vector.shape_cast %slice3A_240 : vector<1x256xf32> to vector<256xf32>
    %broadcast_in_dim3A_242 = vector.shape_cast %squeeze3A_241 : vector<256xf32> to vector<1x256xf32>
    %add3A_243 = vector.broadcast %broadcast_in_dim3A_242 : vector<1x256xf32> to vector<512x256xf32>
    %add3A_244 = arith.addf %dot_general3A_236, %add3A_243 : vector<512x256xf32>
    %ge3A_245 = arith.constant 0.000000e+00 : f32
    %ge3A_246 = vector.broadcast %ge3A_245 : f32 to vector<512x256xf32>
    %ge3A_247 = arith.cmpf oge, %add3A_244, %ge3A_246 : vector<512x256xf32>
    %mul3A_248 = arith.constant 0.00999999977 : f32
    %mul3A_249 = vector.broadcast %mul3A_248 : f32 to vector<512x256xf32>
    %mul3A_250 = arith.mulf %mul3A_249, %add3A_244 : vector<512x256xf32>
    %select_n3A_251 = arith.select %ge3A_247, %add3A_244, %mul3A_250 : vector<512x256xi1>, vector<512x256xf32>
    %get3A_252 = arith.constant 4 : index
    %get3A_253 = arith.constant 0 : index
    %get3A_254 = arith.constant 0 : index
    %get3A_255 = vector.load %arg5[%get3A_252, %get3A_253, %get3A_254] : memref<8x256x2xf32, #tpu.memory_space<vmem>>, vector<1x256x2xf32>
    %get3A_256 = vector.shape_cast %get3A_255 : vector<1x256x2xf32> to vector<256x2xf32>
    %dot_general3A_257 = arith.constant dense<0.000000e+00> : vector<512x2xf32>
    %dot_general3A_258 = tpu.matmul %select_n3A_251, %get3A_256, %dot_general3A_257 {dimension_numbers = #tpu.dot_dimension_numbers<[1], [0], [0], [1], [0, 0, 1, 1], [], []>, transpose_lhs_hint = false} : vector<512x256xf32>, vector<256x2xf32>, vector<512x2xf32> -> vector<512x2xf32>
    %get3A_259 = arith.constant 0 : index
    %get3A_260 = arith.constant 0 : index
    %get3A_261 = vector.load %arg6[%get3A_259, %get3A_260] : memref<8x2xf32, #tpu.memory_space<vmem>>, vector<8x2xf32>
    %slice3A_262 = vector.extract_strided_slice %get3A_261 {offsets = [4, 0], sizes = [1, 2], strides = [1, 1]} : vector<8x2xf32> to vector<1x2xf32>
    %squeeze3A_263 = vector.shape_cast %slice3A_262 : vector<1x2xf32> to vector<2xf32>
    %broadcast_in_dim3A_264 = vector.shape_cast %squeeze3A_263 : vector<2xf32> to vector<1x2xf32>
    %add3A_265 = vector.broadcast %broadcast_in_dim3A_264 : vector<1x2xf32> to vector<512x2xf32>
    %add3A_266 = arith.addf %dot_general3A_258, %add3A_265 : vector<512x2xf32>
    %eq3A_267 = arith.constant 4 : i32
    %eq3A_268 = vector.broadcast %eq3A_267 : i32 to vector<512x1xi32>
    %eq3A_269 = arith.cmpi eq, %broadcast_in_dim3A_7, %eq3A_268 : vector<512x1xi32>
    %jit3A_270 = arith.constant 0.000000e+00 : f32
    %broadcast_in_dim3A_271 = vector.broadcast %jit3A_270 : f32 to vector<512x1xf32>
    %select_n3A_272 = arith.select %eq3A_269, %div3A_18, %broadcast_in_dim3A_271 : vector<512x1xi1>, vector<512x1xf32>
    %eq3A_273 = arith.constant 4 : i32
    %eq3A_274 = vector.broadcast %eq3A_273 : i32 to vector<512x1xi32>
    %eq3A_275 = arith.cmpi eq, %broadcast_in_dim3A_14, %eq3A_274 : vector<512x1xi32>
    %jit3A_276 = arith.constant 0.000000e+00 : f32
    %broadcast_in_dim3A_277 = vector.broadcast %jit3A_276 : f32 to vector<512x1xf32>
    %select_n3A_278 = arith.select %eq3A_275, %div3A_19, %broadcast_in_dim3A_277 : vector<512x1xi1>, vector<512x1xf32>
    %add3A_279 = arith.addf %select_n3A_272, %select_n3A_278 : vector<512x1xf32>
    %mul3A_280 = vector.broadcast %add3A_279 : vector<512x1xf32> to vector<512x2xf32>
    %mul3A_281 = arith.mulf %mul3A_280, %add3A_266 : vector<512x2xf32>
    %add3A_282 = arith.addf %add3A_229, %mul3A_281 : vector<512x2xf32>
    %get3A_283 = arith.constant 5 : index
    %get3A_284 = arith.constant 0 : index
    %get3A_285 = arith.constant 0 : index
    %get3A_286 = vector.load %arg3[%get3A_283, %get3A_284, %get3A_285] : memref<8x256x256xf32, #tpu.memory_space<vmem>>, vector<1x256x256xf32>
    %get3A_287 = vector.shape_cast %get3A_286 : vector<1x256x256xf32> to vector<256x256xf32>
    %dot_general3A_288 = arith.constant dense<0.000000e+00> : vector<512x256xf32>
    %dot_general3A_289 = tpu.matmul %get3A_1, %get3A_287, %dot_general3A_288 {dimension_numbers = #tpu.dot_dimension_numbers<[1], [0], [0], [1], [0, 0, 1, 1], [], []>, transpose_lhs_hint = false} : vector<512x256xf32>, vector<256x256xf32>, vector<512x256xf32> -> vector<512x256xf32>
    %get3A_290 = arith.constant 0 : index
    %get3A_291 = arith.constant 0 : index
    %get3A_292 = vector.load %arg4[%get3A_290, %get3A_291] : memref<8x256xf32, #tpu.memory_space<vmem>>, vector<8x256xf32>
    %slice3A_293 = vector.extract_strided_slice %get3A_292 {offsets = [5, 0], sizes = [1, 256], strides = [1, 1]} : vector<8x256xf32> to vector<1x256xf32>
    %squeeze3A_294 = vector.shape_cast %slice3A_293 : vector<1x256xf32> to vector<256xf32>
    %broadcast_in_dim3A_295 = vector.shape_cast %squeeze3A_294 : vector<256xf32> to vector<1x256xf32>
    %add3A_296 = vector.broadcast %broadcast_in_dim3A_295 : vector<1x256xf32> to vector<512x256xf32>
    %add3A_297 = arith.addf %dot_general3A_289, %add3A_296 : vector<512x256xf32>
    %ge3A_298 = arith.constant 0.000000e+00 : f32
    %ge3A_299 = vector.broadcast %ge3A_298 : f32 to vector<512x256xf32>
    %ge3A_300 = arith.cmpf oge, %add3A_297, %ge3A_299 : vector<512x256xf32>
    %mul3A_301 = arith.constant 0.00999999977 : f32
    %mul3A_302 = vector.broadcast %mul3A_301 : f32 to vector<512x256xf32>
    %mul3A_303 = arith.mulf %mul3A_302, %add3A_297 : vector<512x256xf32>
    %select_n3A_304 = arith.select %ge3A_300, %add3A_297, %mul3A_303 : vector<512x256xi1>, vector<512x256xf32>
    %get3A_305 = arith.constant 5 : index
    %get3A_306 = arith.constant 0 : index
    %get3A_307 = arith.constant 0 : index
    %get3A_308 = vector.load %arg5[%get3A_305, %get3A_306, %get3A_307] : memref<8x256x2xf32, #tpu.memory_space<vmem>>, vector<1x256x2xf32>
    %get3A_309 = vector.shape_cast %get3A_308 : vector<1x256x2xf32> to vector<256x2xf32>
    %dot_general3A_310 = arith.constant dense<0.000000e+00> : vector<512x2xf32>
    %dot_general3A_311 = tpu.matmul %select_n3A_304, %get3A_309, %dot_general3A_310 {dimension_numbers = #tpu.dot_dimension_numbers<[1], [0], [0], [1], [0, 0, 1, 1], [], []>, transpose_lhs_hint = false} : vector<512x256xf32>, vector<256x2xf32>, vector<512x2xf32> -> vector<512x2xf32>
    %get3A_312 = arith.constant 0 : index
    %get3A_313 = arith.constant 0 : index
    %get3A_314 = vector.load %arg6[%get3A_312, %get3A_313] : memref<8x2xf32, #tpu.memory_space<vmem>>, vector<8x2xf32>
    %slice3A_315 = vector.extract_strided_slice %get3A_314 {offsets = [5, 0], sizes = [1, 2], strides = [1, 1]} : vector<8x2xf32> to vector<1x2xf32>
    %squeeze3A_316 = vector.shape_cast %slice3A_315 : vector<1x2xf32> to vector<2xf32>
    %broadcast_in_dim3A_317 = vector.shape_cast %squeeze3A_316 : vector<2xf32> to vector<1x2xf32>
    %add3A_318 = vector.broadcast %broadcast_in_dim3A_317 : vector<1x2xf32> to vector<512x2xf32>
    %add3A_319 = arith.addf %dot_general3A_311, %add3A_318 : vector<512x2xf32>
    %eq3A_320 = arith.constant 5 : i32
    %eq3A_321 = vector.broadcast %eq3A_320 : i32 to vector<512x1xi32>
    %eq3A_322 = arith.cmpi eq, %broadcast_in_dim3A_7, %eq3A_321 : vector<512x1xi32>
    %jit3A_323 = arith.constant 0.000000e+00 : f32
    %broadcast_in_dim3A_324 = vector.broadcast %jit3A_323 : f32 to vector<512x1xf32>
    %select_n3A_325 = arith.select %eq3A_322, %div3A_18, %broadcast_in_dim3A_324 : vector<512x1xi1>, vector<512x1xf32>
    %eq3A_326 = arith.constant 5 : i32
    %eq3A_327 = vector.broadcast %eq3A_326 : i32 to vector<512x1xi32>
    %eq3A_328 = arith.cmpi eq, %broadcast_in_dim3A_14, %eq3A_327 : vector<512x1xi32>
    %jit3A_329 = arith.constant 0.000000e+00 : f32
    %broadcast_in_dim3A_330 = vector.broadcast %jit3A_329 : f32 to vector<512x1xf32>
    %select_n3A_331 = arith.select %eq3A_328, %div3A_19, %broadcast_in_dim3A_330 : vector<512x1xi1>, vector<512x1xf32>
    %add3A_332 = arith.addf %select_n3A_325, %select_n3A_331 : vector<512x1xf32>
    %mul3A_333 = vector.broadcast %add3A_332 : vector<512x1xf32> to vector<512x2xf32>
    %mul3A_334 = arith.mulf %mul3A_333, %add3A_319 : vector<512x2xf32>
    %add3A_335 = arith.addf %add3A_282, %mul3A_334 : vector<512x2xf32>
    %get3A_336 = arith.constant 6 : index
    %get3A_337 = arith.constant 0 : index
    %get3A_338 = arith.constant 0 : index
    %get3A_339 = vector.load %arg3[%get3A_336, %get3A_337, %get3A_338] : memref<8x256x256xf32, #tpu.memory_space<vmem>>, vector<1x256x256xf32>
    %get3A_340 = vector.shape_cast %get3A_339 : vector<1x256x256xf32> to vector<256x256xf32>
    %dot_general3A_341 = arith.constant dense<0.000000e+00> : vector<512x256xf32>
    %dot_general3A_342 = tpu.matmul %get3A_1, %get3A_340, %dot_general3A_341 {dimension_numbers = #tpu.dot_dimension_numbers<[1], [0], [0], [1], [0, 0, 1, 1], [], []>, transpose_lhs_hint = false} : vector<512x256xf32>, vector<256x256xf32>, vector<512x256xf32> -> vector<512x256xf32>
    %get3A_343 = arith.constant 0 : index
    %get3A_344 = arith.constant 0 : index
    %get3A_345 = vector.load %arg4[%get3A_343, %get3A_344] : memref<8x256xf32, #tpu.memory_space<vmem>>, vector<8x256xf32>
    %slice3A_346 = vector.extract_strided_slice %get3A_345 {offsets = [6, 0], sizes = [1, 256], strides = [1, 1]} : vector<8x256xf32> to vector<1x256xf32>
    %squeeze3A_347 = vector.shape_cast %slice3A_346 : vector<1x256xf32> to vector<256xf32>
    %broadcast_in_dim3A_348 = vector.shape_cast %squeeze3A_347 : vector<256xf32> to vector<1x256xf32>
    %add3A_349 = vector.broadcast %broadcast_in_dim3A_348 : vector<1x256xf32> to vector<512x256xf32>
    %add3A_350 = arith.addf %dot_general3A_342, %add3A_349 : vector<512x256xf32>
    %ge3A_351 = arith.constant 0.000000e+00 : f32
    %ge3A_352 = vector.broadcast %ge3A_351 : f32 to vector<512x256xf32>
    %ge3A_353 = arith.cmpf oge, %add3A_350, %ge3A_352 : vector<512x256xf32>
    %mul3A_354 = arith.constant 0.00999999977 : f32
    %mul3A_355 = vector.broadcast %mul3A_354 : f32 to vector<512x256xf32>
    %mul3A_356 = arith.mulf %mul3A_355, %add3A_350 : vector<512x256xf32>
    %select_n3A_357 = arith.select %ge3A_353, %add3A_350, %mul3A_356 : vector<512x256xi1>, vector<512x256xf32>
    %get3A_358 = arith.constant 6 : index
    %get3A_359 = arith.constant 0 : index
    %get3A_360 = arith.constant 0 : index
    %get3A_361 = vector.load %arg5[%get3A_358, %get3A_359, %get3A_360] : memref<8x256x2xf32, #tpu.memory_space<vmem>>, vector<1x256x2xf32>
    %get3A_362 = vector.shape_cast %get3A_361 : vector<1x256x2xf32> to vector<256x2xf32>
    %dot_general3A_363 = arith.constant dense<0.000000e+00> : vector<512x2xf32>
    %dot_general3A_364 = tpu.matmul %select_n3A_357, %get3A_362, %dot_general3A_363 {dimension_numbers = #tpu.dot_dimension_numbers<[1], [0], [0], [1], [0, 0, 1, 1], [], []>, transpose_lhs_hint = false} : vector<512x256xf32>, vector<256x2xf32>, vector<512x2xf32> -> vector<512x2xf32>
    %get3A_365 = arith.constant 0 : index
    %get3A_366 = arith.constant 0 : index
    %get3A_367 = vector.load %arg6[%get3A_365, %get3A_366] : memref<8x2xf32, #tpu.memory_space<vmem>>, vector<8x2xf32>
    %slice3A_368 = vector.extract_strided_slice %get3A_367 {offsets = [6, 0], sizes = [1, 2], strides = [1, 1]} : vector<8x2xf32> to vector<1x2xf32>
    %squeeze3A_369 = vector.shape_cast %slice3A_368 : vector<1x2xf32> to vector<2xf32>
    %broadcast_in_dim3A_370 = vector.shape_cast %squeeze3A_369 : vector<2xf32> to vector<1x2xf32>
    %add3A_371 = vector.broadcast %broadcast_in_dim3A_370 : vector<1x2xf32> to vector<512x2xf32>
    %add3A_372 = arith.addf %dot_general3A_364, %add3A_371 : vector<512x2xf32>
    %eq3A_373 = arith.constant 6 : i32
    %eq3A_374 = vector.broadcast %eq3A_373 : i32 to vector<512x1xi32>
    %eq3A_375 = arith.cmpi eq, %broadcast_in_dim3A_7, %eq3A_374 : vector<512x1xi32>
    %jit3A_376 = arith.constant 0.000000e+00 : f32
    %broadcast_in_dim3A_377 = vector.broadcast %jit3A_376 : f32 to vector<512x1xf32>
    %select_n3A_378 = arith.select %eq3A_375, %div3A_18, %broadcast_in_dim3A_377 : vector<512x1xi1>, vector<512x1xf32>
    %eq3A_379 = arith.constant 6 : i32
    %eq3A_380 = vector.broadcast %eq3A_379 : i32 to vector<512x1xi32>
    %eq3A_381 = arith.cmpi eq, %broadcast_in_dim3A_14, %eq3A_380 : vector<512x1xi32>
    %jit3A_382 = arith.constant 0.000000e+00 : f32
    %broadcast_in_dim3A_383 = vector.broadcast %jit3A_382 : f32 to vector<512x1xf32>
    %select_n3A_384 = arith.select %eq3A_381, %div3A_19, %broadcast_in_dim3A_383 : vector<512x1xi1>, vector<512x1xf32>
    %add3A_385 = arith.addf %select_n3A_378, %select_n3A_384 : vector<512x1xf32>
    %mul3A_386 = vector.broadcast %add3A_385 : vector<512x1xf32> to vector<512x2xf32>
    %mul3A_387 = arith.mulf %mul3A_386, %add3A_372 : vector<512x2xf32>
    %add3A_388 = arith.addf %add3A_335, %mul3A_387 : vector<512x2xf32>
    %get3A_389 = arith.constant 7 : index
    %get3A_390 = arith.constant 0 : index
    %get3A_391 = arith.constant 0 : index
    %get3A_392 = vector.load %arg3[%get3A_389, %get3A_390, %get3A_391] : memref<8x256x256xf32, #tpu.memory_space<vmem>>, vector<1x256x256xf32>
    %get3A_393 = vector.shape_cast %get3A_392 : vector<1x256x256xf32> to vector<256x256xf32>
    %dot_general3A_394 = arith.constant dense<0.000000e+00> : vector<512x256xf32>
    %dot_general3A_395 = tpu.matmul %get3A_1, %get3A_393, %dot_general3A_394 {dimension_numbers = #tpu.dot_dimension_numbers<[1], [0], [0], [1], [0, 0, 1, 1], [], []>, transpose_lhs_hint = false} : vector<512x256xf32>, vector<256x256xf32>, vector<512x256xf32> -> vector<512x256xf32>
    %get3A_396 = arith.constant 0 : index
    %get3A_397 = arith.constant 0 : index
    %get3A_398 = vector.load %arg4[%get3A_396, %get3A_397] : memref<8x256xf32, #tpu.memory_space<vmem>>, vector<8x256xf32>
    %slice3A_399 = vector.extract_strided_slice %get3A_398 {offsets = [7, 0], sizes = [1, 256], strides = [1, 1]} : vector<8x256xf32> to vector<1x256xf32>
    %squeeze3A_400 = vector.shape_cast %slice3A_399 : vector<1x256xf32> to vector<256xf32>
    %broadcast_in_dim3A_401 = vector.shape_cast %squeeze3A_400 : vector<256xf32> to vector<1x256xf32>
    %add3A_402 = vector.broadcast %broadcast_in_dim3A_401 : vector<1x256xf32> to vector<512x256xf32>
    %add3A_403 = arith.addf %dot_general3A_395, %add3A_402 : vector<512x256xf32>
    %ge3A_404 = arith.constant 0.000000e+00 : f32
    %ge3A_405 = vector.broadcast %ge3A_404 : f32 to vector<512x256xf32>
    %ge3A_406 = arith.cmpf oge, %add3A_403, %ge3A_405 : vector<512x256xf32>
    %mul3A_407 = arith.constant 0.00999999977 : f32
    %mul3A_408 = vector.broadcast %mul3A_407 : f32 to vector<512x256xf32>
    %mul3A_409 = arith.mulf %mul3A_408, %add3A_403 : vector<512x256xf32>
    %select_n3A_410 = arith.select %ge3A_406, %add3A_403, %mul3A_409 : vector<512x256xi1>, vector<512x256xf32>
    %get3A_411 = arith.constant 7 : index
    %get3A_412 = arith.constant 0 : index
    %get3A_413 = arith.constant 0 : index
    %get3A_414 = vector.load %arg5[%get3A_411, %get3A_412, %get3A_413] : memref<8x256x2xf32, #tpu.memory_space<vmem>>, vector<1x256x2xf32>
    %get3A_415 = vector.shape_cast %get3A_414 : vector<1x256x2xf32> to vector<256x2xf32>
    %dot_general3A_416 = arith.constant dense<0.000000e+00> : vector<512x2xf32>
    %dot_general3A_417 = tpu.matmul %select_n3A_410, %get3A_415, %dot_general3A_416 {dimension_numbers = #tpu.dot_dimension_numbers<[1], [0], [0], [1], [0, 0, 1, 1], [], []>, transpose_lhs_hint = false} : vector<512x256xf32>, vector<256x2xf32>, vector<512x2xf32> -> vector<512x2xf32>
    %get3A_418 = arith.constant 0 : index
    %get3A_419 = arith.constant 0 : index
    %get3A_420 = vector.load %arg6[%get3A_418, %get3A_419] : memref<8x2xf32, #tpu.memory_space<vmem>>, vector<8x2xf32>
    %slice3A_421 = vector.extract_strided_slice %get3A_420 {offsets = [7, 0], sizes = [1, 2], strides = [1, 1]} : vector<8x2xf32> to vector<1x2xf32>
    %squeeze3A_422 = vector.shape_cast %slice3A_421 : vector<1x2xf32> to vector<2xf32>
    %broadcast_in_dim3A_423 = vector.shape_cast %squeeze3A_422 : vector<2xf32> to vector<1x2xf32>
    %add3A_424 = vector.broadcast %broadcast_in_dim3A_423 : vector<1x2xf32> to vector<512x2xf32>
    %add3A_425 = arith.addf %dot_general3A_417, %add3A_424 : vector<512x2xf32>
    %eq3A_426 = arith.constant 7 : i32
    %eq3A_427 = vector.broadcast %eq3A_426 : i32 to vector<512x1xi32>
    %eq3A_428 = arith.cmpi eq, %broadcast_in_dim3A_7, %eq3A_427 : vector<512x1xi32>
    %jit3A_429 = arith.constant 0.000000e+00 : f32
    %broadcast_in_dim3A_430 = vector.broadcast %jit3A_429 : f32 to vector<512x1xf32>
    %select_n3A_431 = arith.select %eq3A_428, %div3A_18, %broadcast_in_dim3A_430 : vector<512x1xi1>, vector<512x1xf32>
    %eq3A_432 = arith.constant 7 : i32
    %eq3A_433 = vector.broadcast %eq3A_432 : i32 to vector<512x1xi32>
    %eq3A_434 = arith.cmpi eq, %broadcast_in_dim3A_14, %eq3A_433 : vector<512x1xi32>
    %jit3A_435 = arith.constant 0.000000e+00 : f32
    %broadcast_in_dim3A_436 = vector.broadcast %jit3A_435 : f32 to vector<512x1xf32>
    %select_n3A_437 = arith.select %eq3A_434, %div3A_19, %broadcast_in_dim3A_436 : vector<512x1xi1>, vector<512x1xf32>
    %add3A_438 = arith.addf %select_n3A_431, %select_n3A_437 : vector<512x1xf32>
    %mul3A_439 = vector.broadcast %add3A_438 : vector<512x1xf32> to vector<512x2xf32>
    %mul3A_440 = arith.mulf %mul3A_439, %add3A_425 : vector<512x2xf32>
    %add3A_441 = arith.addf %add3A_388, %mul3A_440 : vector<512x2xf32>
    %swap3A = arith.constant 0 : index
    %swap3A_442 = arith.constant 0 : index
    %swap3A_443 = vector.load %arg7[%swap3A, %swap3A_442] : memref<512x2xf32, #tpu.memory_space<vmem>>, vector<512x2xf32>
    tpu.vector_store %arg7[%swap3A, %swap3A_442], %add3A_441 {strides = array<i32>} : memref<512x2xf32, #tpu.memory_space<vmem>>, vector<512x2xf32>,
    return
  }
  func.func @transform_0(%arg0: i32) -> (i32, i32) {
    %c0_i32 = arith.constant 0 : i32
    %c0_i32_0 = arith.constant 0 : i32
    return %arg0, %c0_i32 : i32, i32
  }
  func.func @transform_1(%arg0: i32) -> (i32, i32) {
    %c0_i32 = arith.constant 0 : i32
    %c0_i32_0 = arith.constant 0 : i32
    %c0_i32_1 = arith.constant 0 : i32
    return %c0_i32, %c0_i32_0 : i32, i32
  }
  func.func @transform_2(%arg0: i32) -> (i32, i32, i32) {
    %c0_i32 = arith.constant 0 : i32
    %c0_i32_0 = arith.constant 0 : i32
    %c0_i32_1 = arith.constant 0 : i32
    %c0_i32_2 = arith.constant 0 : i32
    return %c0_i32, %c0_i32_0, %c0_i32_1 : i32, i32, i32
  }
  func.func @transform_3(%arg0: i32) -> (i32, i32) {
    %c0_i32 = arith.constant 0 : i32
    %c0_i32_0 = arith.constant 0 : i32
    %c0_i32_1 = arith.constant 0 : i32
    return %c0_i32, %c0_i32_0 : i32, i32
  }
  func.func @transform_4(%arg0: i32) -> (i32, i32, i32) {
    %c0_i32 = arith.constant 0 : i32
    %c0_i32_0 = arith.constant 0 : i32
    %c0_i32_1 = arith.constant 0 : i32
    %c0_i32_2 = arith.constant 0 : i32
    return %c0_i32, %c0_i32_0, %c0_i32_1 : i32, i32, i32
  }
  func.func @transform_5(%arg0: i32) -> (i32, i32) {
    %c0_i32 = arith.constant 0 : i32
    %c0_i32_0 = arith.constant 0 : i32
    %c0_i32_1 = arith.constant 0 : i32
    return %c0_i32, %c0_i32_0 : i32, i32
  }
  func.func @transform_6(%arg0: i32) -> (i32, i32) {
    %c0_i32 = arith.constant 0 : i32
    %c0_i32_0 = arith.constant 0 : i32
    return %arg0, %c0_i32 : i32, i32
  }
}

</mosaic_0001>

<sc_bundles>
// kernel: gather_offload_async_start.1
scs
__scs_entry_jumppad:
0x0: {  	(pc) =	sbr.rel $0x88, $3  }
0x1: {  	(tag) =	ssettag $0x0;
	lr =	simm.s32 $0x1  }
0x2: {  	[smem:$0x3F91] =	sst lr;
	_ =	strace $0xD0000000  }
0x3: {  	_ = 	snop  }
0x4: {  	_ = 	snop  }
0x5: {  	_ = 	snop  }
0x6: {  	_ = 	snop  }
0x7: {  	_ = 	snop  }
__scs_overlays_trampoline_lowered:
0x8: {  	[smem:$0x3FA0] =	sst s0  }
0x9: {  	[smem:$0x3FA1] =	sst s1  }
0xa: {  	[smem:$0x3FA2] =	sst s2  }
0xb: {  	[smem:$0x3FA3] =	sst s3  }
0xc: {  	[smem:$0x3FA4] =	sst s4  }
0xd: {  	[smem:$0x3FA5] =	sst s5  }
0xe: {  	[smem:$0x3FA6] =	sst s6  }
0xf: {  	[smem:$0x3FA7] =	sst s7  }
0x10: {  	[smem:$0x3FA8] =	sst s8  }
0x11: {  	[smem:$0x3FA9] =	sst s9;
	s0 =	simm.s32 @!p0 $0x0  }
0x12: {  	s1 =	sld [smem:$0x3F8F];
	s0 =	simm.s32 @p0 $0x1  }
0x13: {  	[smem:$0x3FAA] =	sst s0;
	s0 =	simm.s32 @!p1 $0x0  }
0x14: {  	s2 =	sld [smem:$0x3F8E];
	s0 =	simm.s32 @p1 $0x1  }
0x15: {  	[smem:$0x3FAB] =	sst s0;
	s0 =	simm.s32 @!p2 $0x0  }
0x16: {  	s3 =	sld [smem:$0x3FDB];
	s0 =	simm.s32 @p2 $0x1  }
0x17: {  	s4 =	simm.s32 $0x1BF5;
	[smem:$0x3FAD] =	sst s0  }
0x18: {  	s0 =	sld [smem:$0x3F90];
	_ =	swait.ge [sflag:s4], $0x0  }
0x19: {  	s7 =	sld [smem:$0x3F91]  }
0x1a: {  	s8 =	sadd.s32 $0xFFFFE003, lr  }
0x1b: {  	s9 =	sadd.s32 $0xFFFFFEF7, lr;
	s5 =	simm.s32 $0xFFFFFFFF;
	p2 =	slt.u32 s8, $0xFFFFF086  }
0x1c: {  	p1 =	slt.u32 s9, $0xF7A;
	s5 =	simm.s32 @!p2 $0x0  }
0x1d: {  	s5 =	simm.s32 @p1 $0x1;
	p0 =	seq.s32 s7, s2  }
0x1e: {  	s7 =	smul.u32 @!p0 $0xF7A, s2;
	p2 =	seq.s32 @!p0 s5, $0x0  }
0x1f: {  	s9 =	smul.u32 $0xF7A, s1;
	s8 =	simm.s32 @!p0 $0x1BF5;
	p2 =	por !p2, p0  }
0x20: {  	[sflag:s8] =	ssyncset.s32 @!p0 $0xFFFFF086;
	s6 =	sadd.s32 @!p0 s3, s7;
	s7 =	simm.s32 @!p0 $0x108  }
0x21: {  	s3 =	sadd.s32 s3, s9;
	s6 =	sadd.s32 @!p0 $0x88, s6;
	s7 =	simm.s32 @p2 $0x1082  }
0x22: {  	[simem:s7], [sflag:s8] =	dma.local @!p0 [hbm:s6], $0xF7A  }
0x23: {  	s9 =	sor.u32 $0xD0000000, s2;
	s6 =	simm.s32 $0x108;
	_ =	swait.ge @!p0 [sflag:s8], $0x0  }
0x24: {  	s3 =	sadd.s32 $0x88, s3;
	s6 =	simm.s32 @!p1 $0x1082;
	[sflag:s4] =	ssyncset.s32 $0xFFFFF086  }
0x25: {  	[simem:s6], [sflag:s4] =	dma.local [hbm:s3], $0xF7A  }
0x26: {  	[smem:$0x3F91] =	sst s1;
	(tag) =	ssettag s2;
	_ =	strace s9  }
0x27: {  	s1 =	sld [smem:$0x3FA1]  }
0x28: {  	s2 =	sld [smem:$0x3FA2]  }
0x29: {  	s4 =	sld [smem:$0x3FA4]  }
0x2a: {  	p0 =	seq.s32 s5, $0x0;
	s5 =	sld [smem:$0x3FA5]  }
0x2b: {  	s6 =	sld [smem:$0x3FA6]  }
0x2c: {  	s7 =	sld [smem:$0x3FA7]  }
0x2d: {  	s3 =	simm.s32 $0x108;
	s8 =	sld [smem:$0x3FA8]  }
0x2e: {  	s3 =	simm.s32 @!p0 $0x1082;
	s9 =	sld [smem:$0x3FA9]  }
0x2f: {  	lr =	sadd.s32 s0, s3;
	s0 =	sld [smem:$0x3FA0]  }
0x30: {  	s3 =	sld [smem:$0x3FA3]  }
0x31: {  	[smem:$0x3FAC] =	sst s10  }
0x32: {  	s10 =	sld [smem:$0x3FAA];
	_ =	sdelay $0x3  }
0x33: {  	p0 =	seq.s32 s10, $0x1;
	s10 =	sld [smem:$0x3FAC];
	_ =	sdelay $0x3  }
0x34: {  	[smem:$0x3FAC] =	sst s10  }
0x35: {  	s10 =	sld [smem:$0x3FAB];
	_ =	sdelay $0x3  }
0x36: {  	p1 =	seq.s32 s10, $0x1;
	s10 =	sld [smem:$0x3FAC];
	_ =	sdelay $0x3  }
0x37: {  	[smem:$0x3FAC] =	sst s10  }
0x38: {  	s10 =	sld [smem:$0x3FAD]  }
0x39: {  	_ = 	snop;
	(pc) =	sbr.ind lr, $3  }
0x3a: {  	_ = 	snop  }
0x3b: {  	_ = 	snop  }
0x3c: {  	p2 =	seq.s32 s10, $0x1;
	s10 =	sld [smem:$0x3FAC]  }
0x3d: {  	_ =	shalt  }
0x3e: {  	_ =	shalt  }
0x3f: {  	_ =	shalt  }
0x40: {  	_ =	shalt  }
0x41: {  	_ =	shalt  }
0x42: {  	_ =	shalt  }
0x43: {  	_ =	shalt  }
0x44: {  	_ =	shalt  }
0x45: {  	_ =	shalt  }
0x46: {  	_ =	shalt  }
0x47: {  	_ =	shalt  }
0x48: {  	_ =	shalt  }
0x49: {  	_ =	shalt  }
0x4a: {  	_ =	shalt  }
0x4b: {  	_ =	shalt  }
0x4c: {  	_ =	shalt  }
0x4d: {  	_ =	shalt  }
0x4e: {  	_ =	shalt  }
0x4f: {  	_ =	shalt  }
0x50: {  	_ =	shalt  }
0x51: {  	_ =	shalt  }
0x52: {  	_ =	shalt  }
0x53: {  	_ =	shalt  }
0x54: {  	_ =	shalt  }
0x55: {  	_ =	shalt  }
0x56: {  	_ =	shalt  }
0x57: {  	_ =	shalt  }
0x58: {  	_ =	shalt  }
0x59: {  	_ =	shalt  }
0x5a: {  	_ =	shalt  }
0x5b: {  	_ =	shalt  }
0x5c: {  	_ =	shalt  }
0x5d: {  	_ =	shalt  }
0x5e: {  	_ =	shalt  }
0x5f: {  	_ =	shalt  }
0x60: {  	_ =	shalt  }
0x61: {  	_ =	shalt  }
0x62: {  	_ =	shalt  }
0x63: {  	_ =	shalt  }
0x64: {  	_ =	shalt  }
0x65: {  	_ =	shalt  }
0x66: {  	_ =	shalt  }
0x67: {  	_ =	shalt  }
0x68: {  	_ =	shalt  }
0x69: {  	_ =	shalt  }
0x6a: {  	_ =	shalt  }
0x6b: {  	_ =	shalt  }
0x6c: {  	_ =	shalt  }
0x6d: {  	_ =	shalt  }
0x6e: {  	_ =	shalt  }
0x6f: {  	_ =	shalt  }
0x70: {  	_ =	shalt  }
0x71: {  	_ =	shalt  }
0x72: {  	_ =	shalt  }
0x73: {  	_ =	shalt  }
0x74: {  	_ =	shalt  }
0x75: {  	_ =	shalt  }
0x76: {  	_ =	shalt  }
0x77: {  	_ =	shalt  }
0x78: {  	_ =	shalt  }
0x79: {  	_ =	shalt  }
0x7a: {  	_ =	shalt  }
0x7b: {  	_ =	shalt  }
0x7c: {  	_ =	shalt  }
0x7d: {  	_ =	shalt  }
0x7e: {  	_ =	shalt  }
0x7f: {  	_ =	shalt  }
0x80: {  	_ =	shalt  }
0x81: {  	_ =	shalt  }
0x82: {  	_ =	shalt  }
0x83: {  	_ =	shalt  }
0x84: {  	_ =	shalt  }
0x85: {  	_ =	shalt  }
0x86: {  	_ =	shalt  }
0x87: {  	_ =	shalt  }
.Lfunc_end0:
.L_simem_size_0:
called_computation.1_lowered:
.L_overlay_start_0:
0x88: {  	s2 =	sld [smem:$0x3FD9]  }
0x89: {  	s3 =	sld [smem:$0x3FFE];
	_ =	sdelay $0x1  }
0x8a: {  	s1 =	srdreg.scid  }
0x8b: {  	s0 =	sand.u32 $0x1, s1  }
0x8c: {  	s16 =	sshll.u32 s0, $0xA;
	s2 =	sadd.s32 s3, s2  }
0x8d: {  	s2 =	sadd.s32 s2, s16  }
0x8e: {  	[smem:$0x3FB8] =	sst s2  }
0x8f: {  	_ = 	snop  }
0x90: {  	(tm) =	ssettm $0x1  }
0x91: {  	s17 =	sld [smem:$0x3FFB];
	_ =	sdelay $0x3  }
0x92: {  	_ =	strace s17  }
0x93: {  	s2 =	sld [smem:$0x3FFC];
	_ =	sdelay $0x3  }
0x94: {  	_ =	strace s2  }
0x95: {  	s2 =	sld [smem:$0x3FFD];
	_ =	sdelay $0x3  }
0x96: {  	_ =	strace s2  }
0x97: {  	_ =	strace $0x8FFFFFFF  }
0x98: {  	s18 =	sld [smem:$0x3FDB];
	_ =	sdelay $0x1  }
0x99: {  	s19 =	simm.s32 $_scs_section_size  }
0x9a: {  	s4 =	simm.s32 $_size__tile_overlayer_lowered;
	s5 =	simm.s32 $_tile_overlayer_lowered  }
0x9b: {  	s22 =	simm.s32 $0x1BFF;
	s21 =	sshll.u32 s5, $0x1;
	s2 =	sadd.s32 s19, s18  }
0x9c: {  	s6 =	simm.s32 $0x0;
	s20 =	sshll.u32 s4, $0x1;
	s4 =	sadd.s32 s21, s2  }
0x9d: {  	[timem:s6], [sflag:s22] =	dma.local [hbm:s4], s20  }
0x9e: {  	_ =	swait.ge [sflag:s22], s20  }
0x9f: {  	s3 =	ssub.s32 $0x0, s20;
	[sflag:s22] =	ssyncset.done $0x0  }
0xa0: {  	[sflag:s22] =	ssyncadd.s32 s3;
	_ =	sdelay $0x1  }
0xa1: {  	s23 =	simm.s32 $0x1B8B  }
0xa2: {  	_ =	swait.ge [sflag:s23], $0x1  }
0xa3: {  	[sflag:s23] =	ssyncset.done $0x0  }
0xa4: {  	s25 =	simm.s32 $0x1B8E;
	s24 =	sld [smem:$0x3FFE];
	[sflag:s23] =	ssyncadd.s32 $0xFFFFFFFF  }
0xa5: {  	s26 =	simm.s32 $execute0_lowered;
	[smem:$0x3FD2] =	sst s25  }
0xa6: {  	s4 =	sshll.u32 s26, $0x1;
	_ =	strace $0x80000046;
	[dreg:$0x1] =	wrdreg $0xFFFFFFFF  }
0xa7: {  	s28 =	simm.s32 $_size_execute0_lowered;
	s2 =	sadd.s32 s2, s4;
	[dreg:$0x0] =	wrdreg $0x0  }
0xa8: {  	s4 =	sshll.u32 s28, $0x1;
	[dreg:$0x2] =	wrdreg s2  }
0xa9: {  	[dreg:$0x3] =	wrdreg s4  }
0xaa: {  	[dreg:$0x4] =	wrdreg $0xC0  }
0xab: {  	_ =	task [dreg:s6], $0x5FFFF  }
0xac: {  	[dreg:$0x1] =	wrdreg $0xFFFFFFFF  }
0xad: {  	[dreg:$0x0] =	wrdreg $0x60  }
0xae: {  	[dreg:$0x2] =	wrdreg s24  }
0xaf: {  	[dreg:$0x3] =	wrdreg $0xA  }
0xb0: {  	_ =	task.clear_ibuf [dreg:s6], $0x4FFFF;
	_ =	strace $0x90000046  }
0xb1: {  	s29 =	simm.s32 $0xA;
	_ =	strace $0x80000048  }
0xb2: {  	_ =	swait.ge [sflag:s29], $0x1  }
0xb3: {  	[sflag:s29] =	ssyncadd.s32 $0xFFFFFFFF  }
0xb4: {  	_ =	strace $0x90000048  }
0xb5: {  	_ =	sfence  }
0xb6: {  	s30 =	sld [smem:$0x0];
	_ =	sdelay $0x2  }
0xb7: {  	s31 =	sshll.u32 s1, $0xD;
	s1 =	sshrl.u32 s1, $0x2  }
0xb8: {  	s3 =	sand.u32 $0x4000, s31;
	s1 =	sadd.s32 s1, s30  }
0xb9: {  	s0 =	sor.u32 s3, s0;
	s1 =	sshll.u32 s1, $0x11  }
0xba: {  	s0 =	sor.u32 s1, s0  }
0xbb: {  	s0 =	sadd.s32 $0x8F2B, s0  }
0xbc: {  	[sflag:s0] =	ssyncadd.remote.s32 $0x1  }
0xbd: {  	_ =	sfence.sel $0xFFFF  }
0xbe: {  	[dreg:$0x0] =	wrdreg $0xFFFFFFFF;
	(pc) =	sbr.abs _section_cstart, $3  }
0xbf: {  	[dreg:$0x1] =	wrdreg $0xFFFFFFFF  }
0xc0: {  	_ =	task.clear_ibuf [dreg:s6], $0x2FFFF;
	_ =	strace $0x9FFFFFFF  }
0xc1: {  	(tm) =	ssettm $0x7FFFFFFF  }
tec
execute0_lowered:
.L_overlay_start_1:
0x0: {  	(tag) =	ssettag $0x1  }
0x1: {  	s8 =	rddreg [dreg:$0x0]  }
0x2: {  	s0 =	rddreg [dreg:$0x1];
	_ =	strace $0x80000047;
	s1 =	stileid.u32  }
0x3: {  	s3 =	srdreg.scid;
	s4 =	simm.s32 $0x1;
	s7 =	simm.s32 $0x1  }
0x4: {  	s9 =	simm.s32 $0x1;
	s10 =	simm.s32 $0x3;
	s13 =	simm.s32 $0x0  }
0x5: {  	s12 =	simm.s32 $0x0;
	s5 =	sand.u32 $0x1, s3;
	s6 =	sshll.u32 s1, $0x1  }
0x6: {  	s2 =	sadd.s32 $0x9000, s8;
	s3 =	sadd.s32 $0xE000, s8;
	s5 =	sor.u32 s6, s5  }
.Ltmp0:
0x7: {  	[sflag:s4] =	ssyncpa.u1 $0x0;
	p0 =	slt.u32 s5, $0x9;
	(pc) =	sbr.rel .LBB2_1-.Ltmp0, $4  }
0x8: {  	s6 =	simm.s32 $0x2;
	s7 =	simm.s32 @!p0 $0x0;
	p0 =	sne.s32 s5, $0x8  }
0x9: {  	[sflag:s6] =	ssyncpa.u1 $0x0;
	s5 =	smul.u32 $0xFA0, s5;
	s9 =	simm.s32 @!p0 $0x0  }
0xa: {  	s8 =	sadd.s32 $0x70000, s8;
	[sflag:s10] =	ssyncpa.u1 $0x0;
	s7 =	sadd.s32 s9, s7  }
0xb: {  	vm0 =	vmmov $0xffff;
	s10 =	simm.s32 $0x0;
	s11 =	smov.u32 s5;
	s9 =	sadd.s32 $0x1, s7  }
.LBB2_4:
0xc: {  	v2 =	vnsel vm1, $0x0, v2  }
0xd: {  	vm1 =	vgt.s32 v0, $0x0;
	v2 =	vmin.u32 v2, $0x270FF  }
0xe: {  	v0 =	vnsel vm1, $0x0, v0  }
0xf: {  	v0 =	vmin.u32 v0, $0x270FF  }
0x10: {  	[tilespmem:s18], [sflag:$0x1] =	stream.indirect_vreg.gather [hbm4b:s2+s10], $0x1, v1, vm0, $0x4038;
	[tilespmem:$0x3E80] =	vst v63  }
0x11: {  	(ifvalue) =	ssetifvalue $0x7FFFFFFF  }
0x12: {  	[tilespmem:s15], [sflag:$0x1] =	stream.indirect_vreg.gather [hbm4b:s2+s10], $0x1, v2, vm0, $0x4038;
	[tilespmem:$0x3E80] =	vst v63  }
0x13: {  	s29 =	sadd.s32 $0x10, s15;
	(ifvalue) =	ssetifvalue $0x7FFFFFFF  }
0x14: {  	[tilespmem:s29], [sflag:$0x1] =	stream.indirect_vreg.gather [hbm4b:s2+s10], $0x1, v0, vm0, $0x4038;
	[tilespmem:$0x3E80] =	vst v63  }
0x15: {  	_ =	swait.ge [sflag:s4], $0xFA0  }
0x16: {  	s30 =	sshrl.u32 s13, $0x3;
	[sflag:s4] =	ssyncset.done $0x0  }
0x17: {  	s31 =	sand.u32 $0x7, s13;
	s15 =	sadd.s32 s8, s30;
	[sflag:s4] =	ssyncadd.s32 $0xFFFFF060  }
0x18: {  	[hbm4b:s15+s31] =	stream.linear.scatter [tilespmem:s14], [sflag:$0x3], $0xFA0, $0x38;
	[tilespmem:$0x3E80] =	vst v63  }
.LBB2_5:
0x19: {  	s15 =	sadd.s32 $0x1F400, s11  }
0x1a: {  	p1 =	sgt.s32 s15, $0x270FF  }
0x1b: {  	s15 =	smov.u32 @p1 s5;
	p1 =	sne.s32 s12, s9  }
.Ltmp1:
0x1c: {  	p0 =	slt.u32 s12, $0x2;
	(pc) =	sbr.rel @!p1 .LBB2_6-.Ltmp1, $4  }
0x1d: {  	s14 =	simm.s32 @!p0 $0x3  }
0x1e: {  	_ =	swait.ge @!p0 [sflag:s14], $0xFA0  }
0x1f: {  	s16 =	sadd.s32 $0x1, s12;
	s13 =	smov.u32 s11;
	[sflag:s14] =	ssyncset.done @!p0 $0x0  }
0x20: {  	s12 =	smov.u32 s16;
	s11 =	smov.u32 s15;
	[sflag:s14] =	ssyncadd.s32 @!p0 $0xFFFFF060  }
.LBB2_1:
0x21: {  	p0 =	sge.u32 s12, s7  }
0x22: {  	s14 =	sxor.u32 @!p0 $0x1, s12  }
0x23: {  	s14 =	smul.u32 @!p0 $0x3E80, s14  }
0x24: {  	s31 =	sadd.s32 $0xFFFFFFFF, s12;
	s15 =	sshrl.u32 @!p0 s11, $0x3  }
0x25: {  	s16 =	sand.u32 @!p0 $0x7, s11;
	s15 =	sadd.s32 @!p0 s3, s15;
	s14 =	sshra.s32 @!p0 s14, $0x2  }
0x26: {  	[tilespmem:s14], [sflag:$0x2] =	stream.linear.gather @!p0 [hbm4b:s15+s16], $0xFA0, $0x38;
	[tilespmem:$0x3E80] =	vst v63  }
0x27: {  	p0 =	sge.u32 s31, s7  }
.Ltmp2:
0x28: {  	_ = 	snop;
	(pc) =	sbr.rel @p0 .LBB2_5-.Ltmp2, $1  }
0x29: {  	_ =	sdelay $0x3  }
0x2a: {  	s14 =	sand.u32 $0x1, s12  }
0x2b: {  	_ =	swait.ge [sflag:s6], $0xFA0;
	p0 =	seq.s32 s14, $0x1;
	s14 =	simm.s32 $0xFA0  }
0x2c: {  	[sflag:s6] =	ssyncset.done $0x0;
	s14 =	simm.s32 @!p0 $0x0  }
0x2d: {  	[sflag:s6] =	ssyncadd.s32 $0xFFFFF060;
	(ifvalue) =	ssetifvalue $0x7FFFFFFF;
	v0 =	vld.msk [tilespmem:s14+$0x0 ss:$0x1], $0xffff;
	_ =	sdelay $0x4  }
0x2e: {  	s15 =	sadd.s32 $0x10, s14;
	vm1 =	vgt.s32 v0, $0x0  }
0x2f: {  	v2 =	vld.msk [tilespmem:s15+$0x0 ss:$0x1], $0xffff;
	v1 =	vnsel vm1, $0x0, v0  }
0x30: {  	v1 =	vmin.u32 v1, $0x270FF;
	_ =	sdelay $0x2  }
0x31: {  	s17 =	simm.s32 $0x20;
	s14 =	sadd.s32 $0x1F40, s14;
	s16 =	sadd.s32 $0x10, s15  }
0x32: {  	s15 =	sadd.s32 $0x10, s14;
	s18 =	smov.u32 s14;
	v0 =	vld.msk [tilespmem:s16+$0x0 ss:$0x1], $0xffff;
	vm1 =	vgt.s32 v2, $0x0;
	(ifvalue) =	ssetifvalue $0x7FFFFFFF  }
.LBB2_3:
0x33: {  	[tilespmem:s18], [sflag:$0x1] =	stream.indirect_vreg.gather [hbm4b:s2+s10], $0x1, v1, vm0, $0x4038;
	[tilespmem:$0x3E80] =	vst v63  }
0x34: {  	s17 =	sadd.s32 $0x10, s17  }
0x35: {  	v2 =	vnsel vm1, $0x0, v2;
	p0 =	slt.u32 s17, $0xF90  }
.Ltmp3:
0x36: {  	s18 =	smov.u32 s15;
	v1 =	vmin.u32 v2, $0x270FF;
	(pc) =	sbr.rel @p0 .LBB2_3-.Ltmp3, $3  }
0x37: {  	_ =	sdelay $0x1  }
0x38: {  	s16 =	sadd.s32 $0x10, s16  }
0x39: {  	vm1 =	vgt.s32 v0, $0x0;
	s15 =	sadd.s32 $0x10, s15;
	v2 =	vmov v0;
	(ifvalue) =	ssetifvalue $0x7FFFFFFF;
	v0 =	vld.msk [tilespmem:s16+$0x0 ss:$0x1], $0xffff  }
.Ltmp4:
0x3a: {  	_ = 	snop;
	(pc) =	sbr.rel .LBB2_4-.Ltmp4, $1  }
0x3b: {  	_ =	sdelay $0x3  }
.LBB2_6:
0x3c: {  	_ =	sfence.sel $0x180000  }
0x3d: {  	s2 =	simm.s32 $0x2;
	[bflag:$0x0] =	sbarrier.arrive $0xFFFF  }
0x3e: {  	s30 =	simm.s32 $0x3;
	[sflag:s2] =	ssyncpa.u1 $0x1  }
0x3f: {  	s31 =	simm.s32 $0x1;
	[sflag:s30] =	ssyncpa.u1 $0x1  }
0x40: {  	[sflag:s31] =	ssyncpa.u1 $0x1  }
0x41: {  	p0 =	sne.s32 s1, $0x0;
	_ =	strace $0x90000047  }
0x42: {  	s0 =	sadd.s32 @!p0 $0x100000, s0;
	[bflag:$0x2] =	sbarrier.arrive $0xFFFF  }
0x43: {  	[sflag:s0] =	ssyncadd.tile.s32 @!p0 $0x1;
	_ =	shalt  }
.Lfunc_end2:
_tile_overlayer_lowered:
.L_overlay_start_2:
0x44: {  	(tag) =	ssettag $0x2  }
0x45: {  	s0 =	rddreg [dreg:$0x0];
	s2 =	stileid.u32  }
0x46: {  	s1 =	rddreg [dreg:$0x1];
	p0 =	sne.s32 s2, $0x0  }
0x47: {  	s3 =	rddreg [dreg:$0x2];
	[bflag:$0x3] =	sbarrier.arrive $0xFFFF;
	s2 =	simm.s32 @!p0 $0x1C01  }
0x48: {  	[timem:s3], [sflag:s2] =	dma.local @!p0 [hbm:s0], s1  }
0x49: {  	s0 =	simm.s32 @!p0 $0x1  }
0x4a: {  	_ =	swait.ge @!p0 [sflag:s0], s1  }
0x4b: {  	s1 =	ssub.s32 @!p0 $0x0, s1;
	[sflag:s0] =	ssyncset.done @!p0 $0x0  }
0x4c: {  	[sflag:s0] =	ssyncadd.s32 @!p0 s1  }
0x4d: {  	[bflag:$0x3] =	sbarrier.arrive $0xFFFF  }
0x4e: {  	_ =	shalt  }

// kernel: gather_offload_async_start
scs
__scs_entry_jumppad:
0x0: {  	(pc) =	sbr.rel $0x88, $3  }
0x1: {  	(tag) =	ssettag $0x0;
	lr =	simm.s32 $0x1  }
0x2: {  	[smem:$0x3F91] =	sst lr;
	_ =	strace $0xD0000000  }
0x3: {  	_ = 	snop  }
0x4: {  	_ = 	snop  }
0x5: {  	_ = 	snop  }
0x6: {  	_ = 	snop  }
0x7: {  	_ = 	snop  }
__scs_overlays_trampoline_lowered:
0x8: {  	[smem:$0x3FA0] =	sst s0  }
0x9: {  	[smem:$0x3FA1] =	sst s1  }
0xa: {  	[smem:$0x3FA2] =	sst s2  }
0xb: {  	[smem:$0x3FA3] =	sst s3  }
0xc: {  	[smem:$0x3FA4] =	sst s4  }
0xd: {  	[smem:$0x3FA5] =	sst s5  }
0xe: {  	[smem:$0x3FA6] =	sst s6  }
0xf: {  	[smem:$0x3FA7] =	sst s7  }
0x10: {  	[smem:$0x3FA8] =	sst s8  }
0x11: {  	[smem:$0x3FA9] =	sst s9;
	s0 =	simm.s32 @!p0 $0x0  }
0x12: {  	s1 =	sld [smem:$0x3F8F];
	s0 =	simm.s32 @p0 $0x1  }
0x13: {  	[smem:$0x3FAA] =	sst s0;
	s0 =	simm.s32 @!p1 $0x0  }
0x14: {  	s2 =	sld [smem:$0x3F8E];
	s0 =	simm.s32 @p1 $0x1  }
0x15: {  	[smem:$0x3FAB] =	sst s0;
	s0 =	simm.s32 @!p2 $0x0  }
0x16: {  	s3 =	sld [smem:$0x3FDB];
	s0 =	simm.s32 @p2 $0x1  }
0x17: {  	s4 =	simm.s32 $0x1BF5;
	[smem:$0x3FAD] =	sst s0  }
0x18: {  	s0 =	sld [smem:$0x3F90];
	_ =	swait.ge [sflag:s4], $0x0  }
0x19: {  	s7 =	sld [smem:$0x3F91]  }
0x1a: {  	s8 =	sadd.s32 $0xFFFFE003, lr  }
0x1b: {  	s9 =	sadd.s32 $0xFFFFFEF7, lr;
	s5 =	simm.s32 $0xFFFFFFFF;
	p2 =	slt.u32 s8, $0xFFFFF086  }
0x1c: {  	p1 =	slt.u32 s9, $0xF7A;
	s5 =	simm.s32 @!p2 $0x0  }
0x1d: {  	s5 =	simm.s32 @p1 $0x1;
	p0 =	seq.s32 s7, s2  }
0x1e: {  	s7 =	smul.u32 @!p0 $0xF7A, s2;
	p2 =	seq.s32 @!p0 s5, $0x0  }
0x1f: {  	s9 =	smul.u32 $0xF7A, s1;
	s8 =	simm.s32 @!p0 $0x1BF5;
	p2 =	por !p2, p0  }
0x20: {  	[sflag:s8] =	ssyncset.s32 @!p0 $0xFFFFF086;
	s6 =	sadd.s32 @!p0 s3, s7;
	s7 =	simm.s32 @!p0 $0x108  }
0x21: {  	s3 =	sadd.s32 s3, s9;
	s6 =	sadd.s32 @!p0 $0x88, s6;
	s7 =	simm.s32 @p2 $0x1082  }
0x22: {  	[simem:s7], [sflag:s8] =	dma.local @!p0 [hbm:s6], $0xF7A  }
0x23: {  	s9 =	sor.u32 $0xD0000000, s2;
	s6 =	simm.s32 $0x108;
	_ =	swait.ge @!p0 [sflag:s8], $0x0  }
0x24: {  	s3 =	sadd.s32 $0x88, s3;
	s6 =	simm.s32 @!p1 $0x1082;
	[sflag:s4] =	ssyncset.s32 $0xFFFFF086  }
0x25: {  	[simem:s6], [sflag:s4] =	dma.local [hbm:s3], $0xF7A  }
0x26: {  	[smem:$0x3F91] =	sst s1;
	(tag) =	ssettag s2;
	_ =	strace s9  }
0x27: {  	s1 =	sld [smem:$0x3FA1]  }
0x28: {  	s2 =	sld [smem:$0x3FA2]  }
0x29: {  	s4 =	sld [smem:$0x3FA4]  }
0x2a: {  	p0 =	seq.s32 s5, $0x0;
	s5 =	sld [smem:$0x3FA5]  }
0x2b: {  	s6 =	sld [smem:$0x3FA6]  }
0x2c: {  	s7 =	sld [smem:$0x3FA7]  }
0x2d: {  	s3 =	simm.s32 $0x108;
	s8 =	sld [smem:$0x3FA8]  }
0x2e: {  	s3 =	simm.s32 @!p0 $0x1082;
	s9 =	sld [smem:$0x3FA9]  }
0x2f: {  	lr =	sadd.s32 s0, s3;
	s0 =	sld [smem:$0x3FA0]  }
0x30: {  	s3 =	sld [smem:$0x3FA3]  }
0x31: {  	[smem:$0x3FAC] =	sst s10  }
0x32: {  	s10 =	sld [smem:$0x3FAA];
	_ =	sdelay $0x3  }
0x33: {  	p0 =	seq.s32 s10, $0x1;
	s10 =	sld [smem:$0x3FAC];
	_ =	sdelay $0x3  }
0x34: {  	[smem:$0x3FAC] =	sst s10  }
0x35: {  	s10 =	sld [smem:$0x3FAB];
	_ =	sdelay $0x3  }
0x36: {  	p1 =	seq.s32 s10, $0x1;
	s10 =	sld [smem:$0x3FAC];
	_ =	sdelay $0x3  }
0x37: {  	[smem:$0x3FAC] =	sst s10  }
0x38: {  	s10 =	sld [smem:$0x3FAD]  }
0x39: {  	_ = 	snop;
	(pc) =	sbr.ind lr, $3  }
0x3a: {  	_ = 	snop  }
0x3b: {  	_ = 	snop  }
0x3c: {  	p2 =	seq.s32 s10, $0x1;
	s10 =	sld [smem:$0x3FAC]  }
0x3d: {  	_ =	shalt  }
0x3e: {  	_ =	shalt  }
0x3f: {  	_ =	shalt  }
0x40: {  	_ =	shalt  }
0x41: {  	_ =	shalt  }
0x42: {  	_ =	shalt  }
0x43: {  	_ =	shalt  }
0x44: {  	_ =	shalt  }
0x45: {  	_ =	shalt  }
0x46: {  	_ =	shalt  }
0x47: {  	_ =	shalt  }
0x48: {  	_ =	shalt  }
0x49: {  	_ =	shalt  }
0x4a: {  	_ =	shalt  }
0x4b: {  	_ =	shalt  }
0x4c: {  	_ =	shalt  }
0x4d: {  	_ =	shalt  }
0x4e: {  	_ =	shalt  }
0x4f: {  	_ =	shalt  }
0x50: {  	_ =	shalt  }
0x51: {  	_ =	shalt  }
0x52: {  	_ =	shalt  }
0x53: {  	_ =	shalt  }
0x54: {  	_ =	shalt  }
0x55: {  	_ =	shalt  }
0x56: {  	_ =	shalt  }
0x57: {  	_ =	shalt  }
0x58: {  	_ =	shalt  }
0x59: {  	_ =	shalt  }
0x5a: {  	_ =	shalt  }
0x5b: {  	_ =	shalt  }
0x5c: {  	_ =	shalt  }
0x5d: {  	_ =	shalt  }
0x5e: {  	_ =	shalt  }
0x5f: {  	_ =	shalt  }
0x60: {  	_ =	shalt  }
0x61: {  	_ =	shalt  }
0x62: {  	_ =	shalt  }
0x63: {  	_ =	shalt  }
0x64: {  	_ =	shalt  }
0x65: {  	_ =	shalt  }
0x66: {  	_ =	shalt  }
0x67: {  	_ =	shalt  }
0x68: {  	_ =	shalt  }
0x69: {  	_ =	shalt  }
0x6a: {  	_ =	shalt  }
0x6b: {  	_ =	shalt  }
0x6c: {  	_ =	shalt  }
0x6d: {  	_ =	shalt  }
0x6e: {  	_ =	shalt  }
0x6f: {  	_ =	shalt  }
0x70: {  	_ =	shalt  }
0x71: {  	_ =	shalt  }
0x72: {  	_ =	shalt  }
0x73: {  	_ =	shalt  }
0x74: {  	_ =	shalt  }
0x75: {  	_ =	shalt  }
0x76: {  	_ =	shalt  }
0x77: {  	_ =	shalt  }
0x78: {  	_ =	shalt  }
0x79: {  	_ =	shalt  }
0x7a: {  	_ =	shalt  }
0x7b: {  	_ =	shalt  }
0x7c: {  	_ =	shalt  }
0x7d: {  	_ =	shalt  }
0x7e: {  	_ =	shalt  }
0x7f: {  	_ =	shalt  }
0x80: {  	_ =	shalt  }
0x81: {  	_ =	shalt  }
0x82: {  	_ =	shalt  }
0x83: {  	_ =	shalt  }
0x84: {  	_ =	shalt  }
0x85: {  	_ =	shalt  }
0x86: {  	_ =	shalt  }
0x87: {  	_ =	shalt  }
.Lfunc_end0:
.L_simem_size_0:
called_computation_lowered:
.L_overlay_start_0:
0x88: {  	s2 =	sld [smem:$0x3FD9]  }
0x89: {  	s3 =	sld [smem:$0x3FFE];
	_ =	sdelay $0x1  }
0x8a: {  	s1 =	srdreg.scid  }
0x8b: {  	s0 =	sand.u32 $0x1, s1  }
0x8c: {  	s17 =	sshll.u32 s0, $0xA;
	s2 =	sadd.s32 s3, s2  }
0x8d: {  	s2 =	sadd.s32 s2, s17  }
0x8e: {  	[smem:$0x3FB8] =	sst s2  }
0x8f: {  	_ = 	snop  }
0x90: {  	(tm) =	ssettm $0x1  }
0x91: {  	s18 =	sld [smem:$0x3FFB];
	_ =	sdelay $0x3  }
0x92: {  	_ =	strace s18  }
0x93: {  	s2 =	sld [smem:$0x3FFC];
	_ =	sdelay $0x3  }
0x94: {  	_ =	strace s2  }
0x95: {  	s2 =	sld [smem:$0x3FFD];
	_ =	sdelay $0x3  }
0x96: {  	_ =	strace s2  }
0x97: {  	_ =	strace $0x8FFFFFFF  }
0x98: {  	s19 =	sld [smem:$0x3FDB];
	_ =	sdelay $0x1  }
0x99: {  	s20 =	simm.s32 $_scs_section_size  }
0x9a: {  	s4 =	simm.s32 $_size__tile_overlayer_lowered;
	s5 =	simm.s32 $_tile_overlayer_lowered  }
0x9b: {  	s6 =	simm.s32 $0x1BFF;
	s21 =	sshll.u32 s5, $0x1;
	s3 =	sadd.s32 s20, s19  }
0x9c: {  	s22 =	simm.s32 $0x0;
	s4 =	sshll.u32 s4, $0x1;
	s5 =	sadd.s32 s21, s3  }
0x9d: {  	[timem:s22], [sflag:s6] =	dma.local [hbm:s5], s4  }
0x9e: {  	_ =	swait.ge [sflag:s6], s4  }
0x9f: {  	s4 =	ssub.s32 $0x0, s4;
	[sflag:s6] =	ssyncset.done $0x0  }
0xa0: {  	[sflag:s6] =	ssyncadd.s32 s4;
	_ =	sdelay $0x1  }
0xa1: {  	s23 =	simm.s32 $0x1B8B  }
0xa2: {  	_ =	swait.ge [sflag:s23], $0x1  }
0xa3: {  	[sflag:s23] =	ssyncset.done $0x0  }
0xa4: {  	[sflag:s23] =	ssyncadd.s32 $0xFFFFFFFF  }
0xa5: {  	s4 =	sld [smem:$0x0]  }
0xa6: {  	s5 =	sand.u32 $0xFFFFFFFE, s1  }
0xa7: {  	p0 =	sne.s32 s1, s5  }
0xa8: {  	s5 =	sshll.u32 @p0 s5, $0xE  }
0xa9: {  	s5 =	sadd.s32 @p0 $0x11B8D, s5;
	s6 =	sshll.u32 @p0 s4, $0x11  }
0xaa: {  	s5 =	sor.u32 @p0 s6, s5  }
0xab: {  	[sflag:s5] =	ssyncadd.remote.s32 @p0 $0x1;
	_ =	sdelay $0x1  }
0xac: {  	s5 =	simm.s32 @p0 $0x1B8D  }
0xad: {  	_ =	swait.eq @p0 [sflag:s5], $0x1  }
0xae: {  	[sflag:s5] =	ssyncadd.s32 @p0 $0xFFFFFFFF  }
0xaf: {  	s6 =	sshll.u32 @!p0 s1, $0xE  }
0xb0: {  	s6 =	sor.u32 @!p0 $0x4000, s6;
	s5 =	simm.s32 @!p0 $0x1B8D  }
0xb1: {  	s4 =	sshll.u32 @!p0 s4, $0x11;
	s6 =	sadd.s32 @!p0 $0x11B8D, s6;
	_ =	swait.eq @!p0 [sflag:s5], $0x1  }
0xb2: {  	s4 =	sor.u32 @!p0 s4, s6;
	[sflag:s5] =	ssyncadd.s32 @!p0 $0xFFFFFFFF  }
0xb3: {  	s25 =	simm.s32 $0x1B8E;
	s24 =	sld [smem:$0x3FFE];
	[sflag:s4] =	ssyncadd.remote.s32 @!p0 $0x1  }
0xb4: {  	s26 =	simm.s32 $execute0_lowered;
	[smem:$0x3FD2] =	sst s25  }
0xb5: {  	s5 =	sshll.u32 s26, $0x1;
	_ =	strace $0x80000049;
	[dreg:$0x1] =	wrdreg $0xFFFFFFFF  }
0xb6: {  	s28 =	simm.s32 $_size_execute0_lowered;
	s3 =	sadd.s32 s3, s5;
	[dreg:$0x0] =	wrdreg $0x0  }
0xb7: {  	s5 =	sshll.u32 s28, $0x1;
	[dreg:$0x2] =	wrdreg s3  }
0xb8: {  	[dreg:$0x3] =	wrdreg s5  }
0xb9: {  	[dreg:$0x4] =	wrdreg $0xC0  }
0xba: {  	_ =	task [dreg:s22], $0x5FFFF  }
0xbb: {  	[dreg:$0x1] =	wrdreg $0xFFFFFFFF  }
0xbc: {  	[dreg:$0x0] =	wrdreg $0x60  }
0xbd: {  	[dreg:$0x2] =	wrdreg s24  }
0xbe: {  	[dreg:$0x3] =	wrdreg $0x9  }
0xbf: {  	_ =	task.clear_ibuf [dreg:s22], $0x4FFFF;
	_ =	strace $0x90000049  }
0xc0: {  	s29 =	simm.s32 $0x9;
	_ =	strace $0x8000004B  }
0xc1: {  	_ =	swait.ge [sflag:s29], $0x1  }
0xc2: {  	[sflag:s29] =	ssyncadd.s32 $0xFFFFFFFF  }
0xc3: {  	_ =	strace $0x9000004B  }
0xc4: {  	_ =	sfence  }
0xc5: {  	s30 =	sld [smem:$0x0];
	_ =	sdelay $0x2  }
0xc6: {  	s31 =	sshll.u32 s1, $0xD;
	s1 =	sshrl.u32 s1, $0x2  }
0xc7: {  	s4 =	sand.u32 $0x4000, s31;
	s1 =	sadd.s32 s1, s30  }
0xc8: {  	s0 =	sor.u32 s4, s0;
	s1 =	sshll.u32 s1, $0x11  }
0xc9: {  	s0 =	sor.u32 s1, s0  }
0xca: {  	s0 =	sadd.s32 $0x8F2B, s0  }
0xcb: {  	[sflag:s0] =	ssyncadd.remote.s32 $0x1  }
0xcc: {  	_ =	sfence.sel $0xFFFF  }
0xcd: {  	[dreg:$0x0] =	wrdreg $0xFFFFFFFF;
	(pc) =	sbr.abs _section_cstart, $3  }
0xce: {  	[dreg:$0x1] =	wrdreg $0xFFFFFFFF  }
0xcf: {  	_ =	task.clear_ibuf [dreg:s22], $0x2FFFF;
	_ =	strace $0x9FFFFFFF  }
0xd0: {  	(tm) =	ssettm $0x7FFFFFFF  }
0xd1: {  	_ =	shalt  }
tec
execute0_lowered:
.L_overlay_start_1:
0x0: {  	(tag) =	ssettag $0x1  }
0x1: {  	s8 =	rddreg [dreg:$0x0]  }
0x2: {  	s0 =	rddreg [dreg:$0x1];
	_ =	strace $0x8000004A;
	s1 =	stileid.u32  }
0x3: {  	s3 =	srdreg.scid;
	s4 =	simm.s32 $0x1;
	s7 =	simm.s32 $0x1  }
0x4: {  	s9 =	simm.s32 $0x1;
	s10 =	simm.s32 $0x3;
	s13 =	simm.s32 $0x0  }
0x5: {  	s12 =	simm.s32 $0x0;
	s5 =	sand.u32 $0x1, s3;
	s6 =	sshll.u32 s1, $0x1  }
0x6: {  	s2 =	sadd.s32 $0x4000, s8;
	s3 =	sadd.s32 $0xE000, s8;
	s5 =	sor.u32 s6, s5  }
.Ltmp0:
0x7: {  	[sflag:s4] =	ssyncpa.u1 $0x0;
	p0 =	slt.u32 s5, $0x9;
	(pc) =	sbr.rel .LBB2_1-.Ltmp0, $4  }
0x8: {  	s6 =	simm.s32 $0x2;
	s7 =	simm.s32 @!p0 $0x0;
	p0 =	sne.s32 s5, $0x8  }
0x9: {  	[sflag:s6] =	ssyncpa.u1 $0x0;
	s5 =	smul.u32 $0xFA0, s5;
	s9 =	simm.s32 @!p0 $0x0  }
0xa: {  	s8 =	sadd.s32 $0x75000, s8;
	[sflag:s10] =	ssyncpa.u1 $0x0;
	s7 =	sadd.s32 s9, s7  }
0xb: {  	vm0 =	vmmov $0xffff;
	s10 =	simm.s32 $0x0;
	s11 =	smov.u32 s5;
	s9 =	sadd.s32 $0x1, s7  }
.LBB2_4:
0xc: {  	v2 =	vnsel vm1, $0x0, v2  }
0xd: {  	vm1 =	vgt.s32 v0, $0x0;
	v2 =	vmin.u32 v2, $0x270FF  }
0xe: {  	v0 =	vnsel vm1, $0x0, v0  }
0xf: {  	v0 =	vmin.u32 v0, $0x270FF  }
0x10: {  	[tilespmem:s18], [sflag:$0x1] =	stream.indirect_vreg.gather [hbm4b:s2+s10], $0x1, v1, vm0, $0x4038;
	[tilespmem:$0x3E80] =	vst v63  }
0x11: {  	(ifvalue) =	ssetifvalue $0x7FFFFFFF  }
0x12: {  	[tilespmem:s15], [sflag:$0x1] =	stream.indirect_vreg.gather [hbm4b:s2+s10], $0x1, v2, vm0, $0x4038;
	[tilespmem:$0x3E80] =	vst v63  }
0x13: {  	s29 =	sadd.s32 $0x10, s15;
	(ifvalue) =	ssetifvalue $0x7FFFFFFF  }
0x14: {  	[tilespmem:s29], [sflag:$0x1] =	stream.indirect_vreg.gather [hbm4b:s2+s10], $0x1, v0, vm0, $0x4038;
	[tilespmem:$0x3E80] =	vst v63  }
0x15: {  	_ =	swait.ge [sflag:s4], $0xFA0  }
0x16: {  	s30 =	sshrl.u32 s13, $0x3;
	[sflag:s4] =	ssyncset.done $0x0  }
0x17: {  	s31 =	sand.u32 $0x7, s13;
	s15 =	sadd.s32 s8, s30;
	[sflag:s4] =	ssyncadd.s32 $0xFFFFF060  }
0x18: {  	[hbm4b:s15+s31] =	stream.linear.scatter [tilespmem:s14], [sflag:$0x3], $0xFA0, $0x38;
	[tilespmem:$0x3E80] =	vst v63  }
.LBB2_5:
0x19: {  	s15 =	sadd.s32 $0x1F400, s11  }
0x1a: {  	p1 =	sgt.s32 s15, $0x270FF  }
0x1b: {  	s15 =	smov.u32 @p1 s5;
	p1 =	sne.s32 s12, s9  }
.Ltmp1:
0x1c: {  	p0 =	slt.u32 s12, $0x2;
	(pc) =	sbr.rel @!p1 .LBB2_6-.Ltmp1, $4  }
0x1d: {  	s14 =	simm.s32 @!p0 $0x3  }
0x1e: {  	_ =	swait.ge @!p0 [sflag:s14], $0xFA0  }
0x1f: {  	s16 =	sadd.s32 $0x1, s12;
	s13 =	smov.u32 s11;
	[sflag:s14] =	ssyncset.done @!p0 $0x0  }
0x20: {  	s12 =	smov.u32 s16;
	s11 =	smov.u32 s15;
	[sflag:s14] =	ssyncadd.s32 @!p0 $0xFFFFF060  }
.LBB2_1:
0x21: {  	p0 =	sge.u32 s12, s7  }
0x22: {  	s14 =	sxor.u32 @!p0 $0x1, s12  }
0x23: {  	s14 =	smul.u32 @!p0 $0x3E80, s14  }
0x24: {  	s31 =	sadd.s32 $0xFFFFFFFF, s12;
	s15 =	sshrl.u32 @!p0 s11, $0x3  }
0x25: {  	s16 =	sand.u32 @!p0 $0x7, s11;
	s15 =	sadd.s32 @!p0 s3, s15;
	s14 =	sshra.s32 @!p0 s14, $0x2  }
0x26: {  	[tilespmem:s14], [sflag:$0x2] =	stream.linear.gather @!p0 [hbm4b:s15+s16], $0xFA0, $0x38;
	[tilespmem:$0x3E80] =	vst v63  }
0x27: {  	p0 =	sge.u32 s31, s7  }
.Ltmp2:
0x28: {  	_ = 	snop;
	(pc) =	sbr.rel @p0 .LBB2_5-.Ltmp2, $1  }
0x29: {  	_ =	sdelay $0x3  }
0x2a: {  	s14 =	sand.u32 $0x1, s12  }
0x2b: {  	_ =	swait.ge [sflag:s6], $0xFA0;
	p0 =	seq.s32 s14, $0x1;
	s14 =	simm.s32 $0xFA0  }
0x2c: {  	[sflag:s6] =	ssyncset.done $0x0;
	s14 =	simm.s32 @!p0 $0x0  }
0x2d: {  	[sflag:s6] =	ssyncadd.s32 $0xFFFFF060;
	(ifvalue) =	ssetifvalue $0x7FFFFFFF;
	v0 =	vld.msk [tilespmem:s14+$0x0 ss:$0x1], $0xffff;
	_ =	sdelay $0x4  }
0x2e: {  	s15 =	sadd.s32 $0x10, s14;
	vm1 =	vgt.s32 v0, $0x0  }
0x2f: {  	v2 =	vld.msk [tilespmem:s15+$0x0 ss:$0x1], $0xffff;
	v1 =	vnsel vm1, $0x0, v0  }
0x30: {  	v1 =	vmin.u32 v1, $0x270FF;
	_ =	sdelay $0x2  }
0x31: {  	s17 =	simm.s32 $0x20;
	s14 =	sadd.s32 $0x1F40, s14;
	s16 =	sadd.s32 $0x10, s15  }
0x32: {  	s15 =	sadd.s32 $0x10, s14;
	s18 =	smov.u32 s14;
	v0 =	vld.msk [tilespmem:s16+$0x0 ss:$0x1], $0xffff;
	vm1 =	vgt.s32 v2, $0x0;
	(ifvalue) =	ssetifvalue $0x7FFFFFFF  }
.LBB2_3:
0x33: {  	[tilespmem:s18], [sflag:$0x1] =	stream.indirect_vreg.gather [hbm4b:s2+s10], $0x1, v1, vm0, $0x4038;
	[tilespmem:$0x3E80] =	vst v63  }
0x34: {  	s17 =	sadd.s32 $0x10, s17  }
0x35: {  	v2 =	vnsel vm1, $0x0, v2;
	p0 =	slt.u32 s17, $0xF90  }
.Ltmp3:
0x36: {  	s18 =	smov.u32 s15;
	v1 =	vmin.u32 v2, $0x270FF;
	(pc) =	sbr.rel @p0 .LBB2_3-.Ltmp3, $3  }
0x37: {  	_ =	sdelay $0x1  }
0x38: {  	s16 =	sadd.s32 $0x10, s16  }
0x39: {  	vm1 =	vgt.s32 v0, $0x0;
	s15 =	sadd.s32 $0x10, s15;
	v2 =	vmov v0;
	(ifvalue) =	ssetifvalue $0x7FFFFFFF;
	v0 =	vld.msk [tilespmem:s16+$0x0 ss:$0x1], $0xffff  }
.Ltmp4:
0x3a: {  	_ = 	snop;
	(pc) =	sbr.rel .LBB2_4-.Ltmp4, $1  }
0x3b: {  	_ =	sdelay $0x3  }
.LBB2_6:
0x3c: {  	_ =	sfence.sel $0x180000  }
0x3d: {  	s2 =	simm.s32 $0x2;
	[bflag:$0x0] =	sbarrier.arrive $0xFFFF  }
0x3e: {  	s30 =	simm.s32 $0x3;
	[sflag:s2] =	ssyncpa.u1 $0x1  }
0x3f: {  	s31 =	simm.s32 $0x1;
	[sflag:s30] =	ssyncpa.u1 $0x1  }
0x40: {  	[sflag:s31] =	ssyncpa.u1 $0x1  }
0x41: {  	p0 =	sne.s32 s1, $0x0;
	_ =	strace $0x9000004A  }
0x42: {  	s0 =	sadd.s32 @!p0 $0x100000, s0;
	[bflag:$0x2] =	sbarrier.arrive $0xFFFF  }
0x43: {  	[sflag:s0] =	ssyncadd.tile.s32 @!p0 $0x1;
	_ =	shalt  }
.Lfunc_end2:
_tile_overlayer_lowered:
.L_overlay_start_2:
0x44: {  	(tag) =	ssettag $0x2  }
0x45: {  	s0 =	rddreg [dreg:$0x0];
	s2 =	stileid.u32  }
0x46: {  	s1 =	rddreg [dreg:$0x1];
	p0 =	sne.s32 s2, $0x0  }
0x47: {  	s3 =	rddreg [dreg:$0x2];
	[bflag:$0x3] =	sbarrier.arrive $0xFFFF;
	s2 =	simm.s32 @!p0 $0x1C01  }
0x48: {  	[timem:s3], [sflag:s2] =	dma.local @!p0 [hbm:s0], s1  }
0x49: {  	s0 =	simm.s32 @!p0 $0x1  }
0x4a: {  	_ =	swait.ge @!p0 [sflag:s0], s1  }
0x4b: {  	s1 =	ssub.s32 @!p0 $0x0, s1;
	[sflag:s0] =	ssyncset.done @!p0 $0x0  }
0x4c: {  	[sflag:s0] =	ssyncadd.s32 @!p0 s1  }
0x4d: {  	[bflag:$0x3] =	sbarrier.arrive $0xFFFF  }
0x4e: {  	_ =	shalt  }

</sc_bundles>
